<compile_context>
chip_gen: v7x
topology: tpu7x:2x2x1
jax: 0.10.2.dev20260603
libtpu: 0.0.44.dev20260713+nightly
codegen_flags: <defaults>
</compile_context>

<pallas_src>
import functools

import jax
import jax.numpy as jnp
from jax import lax
from jax.experimental import pallas as pl
from jax.experimental.pallas import tpu as pltpu
from jax.experimental.pallas import tpu_sc as plsc

N_NODES = 10000
N_EDGES = 320000
D = 128
N_CLASSES = 40

NC = 2
NS = 16
NW = NC * NS

CHUNK = 64
CHUNKS_PER_TILE = 160
E_TILE = CHUNKS_PER_TILE * CHUNK
E_PAD = NW * E_TILE
AGG_ROWS = 10112
ROWS_PER_TILE = AGG_ROWS // NS
IDXBLK = 40
N_STAGES = CHUNKS_PER_TILE // IDXBLK
NBUF = 4

def _sc_aggregate_body(x_hbm, src_hbm, dst_hbm, out_hbm,
                       src_v, dst_v, rows_0, rows_1, rows_2, rows_3,
                       zero_v, agg_sh, sem, sem2):
    c = lax.axis_index("c")
    s = lax.axis_index("s")
    wid = c * NS + s

    z16 = jnp.zeros((16,), jnp.float32)

    def _zstore(i, carry):
        r = i // (D // 16)
        k = i % (D // 16)
        zero_v[r, pl.ds(k * 16, 16)] = z16
        return carry

    lax.fori_loop(0, 32 * (D // 16), _zstore, 0)

    row0 = s * ROWS_PER_TILE

    def _zcopy(i, carry):
        pltpu.sync_copy(zero_v, agg_sh.at[pl.ds(row0 + i * 32, 32)])
        return carry

    lax.fori_loop(0, ROWS_PER_TILE // 32, _zcopy, 0)
    pltpu.sync_copy(zero_v.at[pl.ds(0, ROWS_PER_TILE % 32)],
                    agg_sh.at[pl.ds(row0 + (ROWS_PER_TILE // 32) * 32,
                                    ROWS_PER_TILE % 32)])
    plsc.subcore_barrier()

    crow0 = wid * CHUNKS_PER_TILE
    bufs = (rows_0, rows_1, rows_2, rows_3)

    def _gather_start(j, buf):
        pltpu.make_async_copy(x_hbm.at[src_v.at[j]], buf, sem).start()

    def _gather_wait(buf):
        pltpu.make_async_copy(x_hbm.at[src_v.at[0]], buf, sem).wait()

    def _scatter_start(j, buf):
        pltpu.async_copy(buf, agg_sh.at[dst_v.at[j]], sem2, add=True)

    def _scatter_wait():
        pltpu.make_async_copy(rows_0, agg_sh.at[dst_v.at[0]], sem2).wait()

    def _stage(t, carry):
        pltpu.sync_copy(src_hbm.at[pl.ds(crow0 + t * IDXBLK, IDXBLK)], src_v)
        pltpu.sync_copy(dst_hbm.at[pl.ds(crow0 + t * IDXBLK, IDXBLK)], dst_v)
        for u in range(NBUF - 1):
            _gather_start(u, bufs[u])

        def _quad(k, carry2):
            j = k * NBUF
            for u in range(NBUF):
                b = bufs[u]
                _gather_wait(b)
                q = j + u

                @pl.when(q > 0)
                def _():
                    _scatter_wait()

                nxt = q + (NBUF - 1)

                @pl.when(nxt < IDXBLK)
                def _():
                    _gather_start(nxt, bufs[(u + NBUF - 1) % NBUF])

                _scatter_start(q, b)
            return carry2

        lax.fori_loop(0, IDXBLK // NBUF, _quad, 0)
        _scatter_wait()
        return carry

    lax.fori_loop(0, N_STAGES, _stage, 0)
    plsc.subcore_barrier()

    pltpu.sync_copy(agg_sh.at[pl.ds(row0, ROWS_PER_TILE)],
                    out_hbm.at[c, pl.ds(row0, ROWS_PER_TILE)])


@functools.cache
def _sc_aggregate_call():
    mesh = plsc.VectorSubcoreMesh(core_axis_name="c", subcore_axis_name="s",
                                  num_cores=NC, num_subcores=NS)
    return pl.kernel(
        _sc_aggregate_body,
        mesh=mesh,
        out_type=jax.ShapeDtypeStruct((NC, AGG_ROWS, D), jnp.float32),
        scratch_types=[
            pltpu.VMEM((IDXBLK, CHUNK), jnp.int32),
            pltpu.VMEM((IDXBLK, CHUNK), jnp.int32),
            pltpu.VMEM((CHUNK, D), jnp.float32),
            pltpu.VMEM((CHUNK, D), jnp.float32),
            pltpu.VMEM((CHUNK, D), jnp.float32),
            pltpu.VMEM((CHUNK, D), jnp.float32),
            pltpu.VMEM((32, D), jnp.float32),
            pltpu.VMEM_SHARED((AGG_ROWS, D), jnp.float32),
            pltpu.SemaphoreType.DMA,
            pltpu.SemaphoreType.DMA,
        ],
    )


BLK = 1000


def _dot(a, w):
    return jnp.dot(a.astype(jnp.bfloat16), w.astype(jnp.bfloat16),
                   preferred_element_type=jnp.float32)


def _mlp_body(x_ref, a0_ref, a1_ref, w1_ref, b1_ref, w2_ref, b2_ref,
              w3_ref, b3_ref, w4_ref, b4_ref, out_ref):
    h = x_ref[...] + a0_ref[0] + a1_ref[0]
    h = jnp.maximum(_dot(h, w1_ref[...]) + b1_ref[...], 0.0)
    h = _dot(h, w2_ref[...]) + b2_ref[...]
    h = jnp.maximum(_dot(h, w3_ref[...]) + b3_ref[...], 0.0)
    h = _dot(h, w4_ref[...]) + b4_ref[...]
    m = jnp.max(h, axis=1, keepdims=True)
    lse = jnp.log(jnp.sum(jnp.exp(h - m), axis=1, keepdims=True)) + m
    out_ref[...] = h - lse


_mlp_call = pl.pallas_call(
    _mlp_body,
    grid=(N_NODES // BLK,),
    in_specs=[
        pl.BlockSpec((BLK, D), lambda i: (i, 0)),
        pl.BlockSpec((1, BLK, D), lambda i: (0, i, 0)),
        pl.BlockSpec((1, BLK, D), lambda i: (1, i, 0)),
        pl.BlockSpec((D, D), lambda i: (0, 0)),
        pl.BlockSpec((1, D), lambda i: (0, 0)),
        pl.BlockSpec((D, D), lambda i: (0, 0)),
        pl.BlockSpec((1, D), lambda i: (0, 0)),
        pl.BlockSpec((D, D), lambda i: (0, 0)),
        pl.BlockSpec((1, D), lambda i: (0, 0)),
        pl.BlockSpec((D, N_CLASSES), lambda i: (0, 0)),
        pl.BlockSpec((1, N_CLASSES), lambda i: (0, 0)),
    ],
    out_specs=pl.BlockSpec((BLK, N_CLASSES), lambda i: (i, 0)),
    out_shape=jax.ShapeDtypeStruct((N_NODES, N_CLASSES), jnp.float32),
)


def kernel(x, edge_index, W1, b1, W2, b2, W3, b3, W4, b4):
    src = edge_index[0].astype(jnp.int32)
    dst = edge_index[1].astype(jnp.int32)
    npad = E_PAD - N_EDGES
    pad_ids = jnp.arange(npad, dtype=jnp.int32)
    pad_src = pad_ids % N_NODES
    pad_dst = N_NODES + pad_ids % (AGG_ROWS - N_NODES)
    src_p = jnp.concatenate([src, pad_src]).reshape(E_PAD // CHUNK, CHUNK)
    dst_p = jnp.concatenate([dst, pad_dst]).reshape(E_PAD // CHUNK, CHUNK)

    agg = _sc_aggregate_call()(x, src_p, dst_p)

    return _mlp_call(x, agg, agg,
                     W1, b1.reshape(1, D),
                     W2, b2.reshape(1, D),
                     W3, b3.reshape(1, D),
                     W4, b4.reshape(1, N_CLASSES))

# --- scband reference (transcript-rebuilt; emitter-appended) ---
"""Pipeline reference for scband-ginnet-74354473828737 (READ-ONLY COPY).

The authoritative reference and input builder live on the scoring server;
editing this copy changes nothing except your own understanding.
"""

import jax, jax.numpy as jnp
import numpy as np

N_NODES = 10000
N_EDGES = 320000
D_IN = 128
D_HID = 128
N_CLASSES = 40


def setup_inputs(seed: int = 0) -> dict:
    key = jax.random.key(seed)
    ks = jax.random.split(key, 12)
    x = jax.random.normal(ks[0], (N_NODES, D_IN), dtype=jnp.float32)
    edge_index = jax.random.randint(ks[1], (2, N_EDGES), 0, N_NODES, dtype=jnp.int64)
    s1 = 1.0 / np.sqrt(D_IN)
    s2 = 1.0 / np.sqrt(D_HID)
    W1 = jax.random.uniform(ks[2], (D_IN, D_HID), jnp.float32, -s1, s1)
    b1 = jax.random.uniform(ks[3], (D_HID,), jnp.float32, -s1, s1)
    W2 = jax.random.uniform(ks[4], (D_HID, D_HID), jnp.float32, -s2, s2)
    b2 = jax.random.uniform(ks[5], (D_HID,), jnp.float32, -s2, s2)
    W3 = jax.random.uniform(ks[6], (D_HID, D_HID), jnp.float32, -s2, s2)
    b3 = jax.random.uniform(ks[7], (D_HID,), jnp.float32, -s2, s2)
    W4 = jax.random.uniform(ks[8], (D_HID, N_CLASSES), jnp.float32, -s2, s2)
    b4 = jax.random.uniform(ks[9], (N_CLASSES,), jnp.float32, -s2, s2)
    return {"x": x, "edge_index": edge_index, "W1": W1, "b1": b1, "W2": W2, "b2": b2, "W3": W3, "b3": b3, "W4": W4, "b4": b4}


def reference(x, edge_index, W1, b1, W2, b2, W3, b3, W4, b4):
    src = edge_index[0]
    dst = edge_index[1]
    # GINConv aggregation: sum of source-node features into destination nodes
    msgs = jnp.take(x, src, axis=0)
    agg = jax.ops.segment_sum(msgs, dst, num_segments=N_NODES)
    # (1 + eps) * x + aggregated neighbors, eps = 0 (PyG default)
    h = x + agg
    # GIN MLP: Linear -> ReLU -> Linear
    h = jax.nn.relu(h @ W1 + b1)
    h = h @ W2 + b2
    # final MLP: Linear -> ReLU -> Linear
    h = jax.nn.relu(h @ W3 + b3)
    h = h @ W4 + b4
    return jax.nn.log_softmax(h, axis=1)

if __name__ == "__main__":
    import jax
    _d = setup_inputs()
    print(jax.jit(kernel)(*tuple(_d.values())))

</pallas_src>

<mosaic_0001>
#map = affine_map<(d0, d1) -> (0, 0)>
#map1 = affine_map<(d0, d1) -> (0, 0, 0)>
module attributes {stable_mosaic.version = 14 : i64} {
  func.func @_sc_aggregate_body(%arg0: i32, %arg1: i32, %arg2: memref<10000x128xf32, #tpu.memory_space<hbm>>, %arg3: memref<5120x64xi32, #tpu.memory_space<hbm>>, %arg4: memref<5120x64xi32, #tpu.memory_space<hbm>>, %arg5: memref<2x10112x128xf32, #tpu.memory_space<hbm>>, %arg6: memref<40x64xi32, #tpu.memory_space<vmem>>, %arg7: memref<40x64xi32, #tpu.memory_space<vmem>>, %arg8: memref<64x128xf32, #tpu.memory_space<vmem>>, %arg9: memref<64x128xf32, #tpu.memory_space<vmem>>, %arg10: memref<64x128xf32, #tpu.memory_space<vmem>>, %arg11: memref<64x128xf32, #tpu.memory_space<vmem>>, %arg12: memref<32x128xf32, #tpu.memory_space<vmem>>, %arg13: memref<10112x128xf32, #tpu.memory_space<vmem_shared>>, %arg14: memref<!tpu.dma_semaphore, #tpu.memory_space<semaphore_mem>>, %arg15: memref<!tpu.dma_semaphore, #tpu.memory_space<semaphore_mem>>) attributes {dimension_semantics = [#tpu.dimension_semantics<core_parallel>, #tpu.dimension_semantics<subcore_parallel>], iteration_bounds = array<i64: 2, 16>, scalar_prefetch = 0 : i64, scratch_operands = 10 : i64, tpu.core_type = #tpu.core_type<sc_vector_subcore>, window_params = [{transform_indices = #map}, {transform_indices = #map}, {transform_indices = #map}, {transform_indices = #map1}]} {
    %mul3A = arith.constant 16 : i32
    %mul3A_0 = arith.muli %arg0, %mul3A : i32
    %add3A = arith.addi %mul3A_0, %arg1 : i32
    %broadcast_in_dim3A = arith.constant 0.000000e+00 : f32
    %broadcast_in_dim3A_1 = vector.broadcast %broadcast_in_dim3A : f32 to vector<16xf32>
    %scan3A = arith.constant 0 : i32
    %scan3A_2 = arith.constant 0 : i32
    %scan3A_3 = arith.constant 256 : i32
    %scan3A_4 = arith.addi %scan3A_2, %scan3A_3 : i32
    %scan3A_5 = arith.constant 1 : i32
    scf.for %scan3A_26 = %scan3A_2 to %scan3A_4 step %scan3A_5  : i32 {
      %jit3A = arith.constant 8 : i32
      %div3A = arith.divsi %scan3A_26, %jit3A : i32
      %sign3A = arith.constant 0 : i32
      %sign3A_27 = arith.cmpi sgt, %scan3A_26, %sign3A : i32
      %sign3A_28 = arith.extui %sign3A_27 : i1 to i32
      %sign3A_29 = arith.constant 0 : i32
      %sign3A_30 = arith.cmpi slt, %scan3A_26, %sign3A_29 : i32
      %sign3A_31 = arith.extui %sign3A_30 : i1 to i32
      %sign3A_32 = arith.subi %sign3A_28, %sign3A_31 : i32
      %sign3A_33 = arith.constant 0 : i32
      %sign3A_34 = arith.cmpi sgt, %jit3A, %sign3A_33 : i32
      %sign3A_35 = arith.extui %sign3A_34 : i1 to i32
      %sign3A_36 = arith.constant 0 : i32
      %sign3A_37 = arith.cmpi slt, %jit3A, %sign3A_36 : i32
      %sign3A_38 = arith.extui %sign3A_37 : i1 to i32
      %sign3A_39 = arith.subi %sign3A_35, %sign3A_38 : i32
      %ne3A = arith.cmpi ne, %sign3A_32, %sign3A_39 : i32
      %rem3A = arith.remsi %scan3A_26, %jit3A : i32
      %ne3A_40 = arith.constant 0 : i32
      %ne3A_41 = arith.cmpi ne, %rem3A, %ne3A_40 : i32
      %and3A = arith.andi %ne3A, %ne3A_41 : i1
      %sub3A = arith.constant 1 : i32
      %sub3A_42 = arith.subi %div3A, %sub3A : i32
      %select_n3A = arith.select %and3A, %sub3A_42, %div3A : i32
      %jit3A_43 = arith.constant 8 : i32
      %eq3A = arith.constant 0 : i32
      %eq3A_44 = arith.cmpi eq, %jit3A_43, %eq3A : i32
      %jit3A_45 = arith.constant 1 : i32
      %select_n3A_46 = arith.select %eq3A_44, %jit3A_45, %jit3A_43 : i32
      %rem3A_47 = arith.remsi %scan3A_26, %select_n3A_46 : i32
      %ne3A_48 = arith.constant 0 : i32
      %ne3A_49 = arith.cmpi ne, %rem3A_47, %ne3A_48 : i32
      %lt3A = arith.constant 0 : i32
      %lt3A_50 = arith.cmpi slt, %rem3A_47, %lt3A : i32
      %lt3A_51 = arith.constant 0 : i32
      %lt3A_52 = arith.cmpi slt, %select_n3A_46, %lt3A_51 : i32
      %ne3A_53 = arith.xori %lt3A_50, %lt3A_52 : i1
      %and3A_54 = arith.andi %ne3A_53, %ne3A_49 : i1
      %add3A_55 = arith.addi %rem3A_47, %select_n3A_46 : i32
      %select_n3A_56 = arith.select %and3A_54, %add3A_55, %rem3A_47 : i32
      %mul3A_57 = arith.constant 16 : i32
      %mul3A_58 = arith.muli %select_n3A_56, %mul3A_57 : i32
      %swap3A = arith.index_cast %select_n3A : i32 to index
      %swap3A_59 = arith.index_cast %mul3A_58 : i32 to index
      %swap3A_60 = tpu.vector_load %arg12[%swap3A, %swap3A_59] {strides = array<i32>} : memref<32x128xf32, #tpu.memory_space<vmem>>, vector<1x16xf32>,
      %swap3A_61 = vector.shape_cast %swap3A_60 : vector<1x16xf32> to vector<16xf32>
      %swap3A_62 = vector.shape_cast %broadcast_in_dim3A_1 : vector<16xf32> to vector<1x16xf32>
      tpu.vector_store %arg12[%swap3A, %swap3A_59], %swap3A_62 {strides = array<i32>} : memref<32x128xf32, #tpu.memory_space<vmem>>, vector<1x16xf32>,
    }
    %scan3A_6 = arith.constant 256 : i32
    %mul3A_7 = arith.constant 632 : i32
    %mul3A_8 = arith.muli %arg1, %mul3A_7 : i32
    %scan3A_9 = arith.constant 0 : i32
    %scan3A_10 = arith.constant 0 : i32
    %scan3A_11 = arith.constant 19 : i32
    %scan3A_12 = arith.addi %scan3A_10, %scan3A_11 : i32
    %scan3A_13 = arith.constant 1 : i32
    scf.for %scan3A_26 = %scan3A_10 to %scan3A_12 step %scan3A_13  : i32 {
      %mul3A_27 = arith.constant 32 : i32
      %mul3A_28 = arith.muli %scan3A_26, %mul3A_27 : i32
      %add3A_29 = arith.addi %mul3A_8, %mul3A_28 : i32
      "tpu.region"() ({
        %run_scoped3A = tpu.sem_alloc : memref<!tpu.dma_semaphore, #tpu.memory_space<semaphore_mem>>
        %dma_start3A = arith.constant 0 : i32
        %dma_start3A_30 = tpu.memref_slice %arg13[%add3A_29, %dma_start3A] : memref<10112x128xf32, #tpu.memory_space<vmem_shared>> -> memref<32x128xf32, #tpu.memory_space<vmem_shared>>
        %dma_start3A_31 = arith.constant 0 : i32
        %dma_start3A_32 = tpu.memref_slice %arg13[%add3A_29, %dma_start3A_31] : memref<10112x128xf32, #tpu.memory_space<vmem_shared>> -> memref<32x128xf32, #tpu.memory_space<vmem_shared>>
        tpu.enqueue_dma source(%arg12 : memref<32x128xf32, #tpu.memory_space<vmem>>) target(%dma_start3A_32 : memref<32x128xf32, #tpu.memory_space<vmem_shared>>) target_semaphore(%run_scoped3A : memref<!tpu.dma_semaphore, #tpu.memory_space<semaphore_mem>>)
        %dma_wait3A = arith.constant 0 : i32
        %dma_wait3A_33 = tpu.memref_slice %arg13[%add3A_29, %dma_wait3A] : memref<10112x128xf32, #tpu.memory_space<vmem_shared>> -> memref<32x128xf32, #tpu.memory_space<vmem_shared>>
        %dma_wait3A_34 = arith.constant 0 : i32
        %dma_wait3A_35 = tpu.memref_slice %arg13[%add3A_29, %dma_wait3A_34] : memref<10112x128xf32, #tpu.memory_space<vmem_shared>> -> memref<32x128xf32, #tpu.memory_space<vmem_shared>>
        tpu.wait_dma2 semaphore(%run_scoped3A : memref<!tpu.dma_semaphore, #tpu.memory_space<semaphore_mem>>) src(%arg12 : memref<32x128xf32, #tpu.memory_space<vmem>>) dst(%dma_wait3A_35 : memref<32x128xf32, #tpu.memory_space<vmem_shared>>)
        tpu.yield
      }) : () -> ()
    }
    %scan3A_14 = arith.constant 19 : i32
    %add3A_15 = arith.constant 608 : i32
    %add3A_16 = arith.addi %mul3A_8, %add3A_15 : i32
    "tpu.region"() ({
      %run_scoped3A = tpu.sem_alloc : memref<!tpu.dma_semaphore, #tpu.memory_space<semaphore_mem>>
      %dma_start3A = arith.constant 0 : i32
      %dma_start3A_26 = arith.constant 0 : i32
      %dma_start3A_27 = tpu.memref_slice %arg12[%dma_start3A, %dma_start3A_26] : memref<32x128xf32, #tpu.memory_space<vmem>> -> memref<24x128xf32, #tpu.memory_space<vmem>>
      %dma_start3A_28 = arith.constant 0 : i32
      %dma_start3A_29 = tpu.memref_slice %arg13[%add3A_16, %dma_start3A_28] : memref<10112x128xf32, #tpu.memory_space<vmem_shared>> -> memref<24x128xf32, #tpu.memory_space<vmem_shared>>
      %dma_start3A_30 = arith.constant 0 : i32
      %dma_start3A_31 = tpu.memref_slice %arg13[%add3A_16, %dma_start3A_30] : memref<10112x128xf32, #tpu.memory_space<vmem_shared>> -> memref<24x128xf32, #tpu.memory_space<vmem_shared>>
      %dma_start3A_32 = arith.constant 0 : i32
      %dma_start3A_33 = arith.constant 0 : i32
      %dma_start3A_34 = tpu.memref_slice %arg12[%dma_start3A_32, %dma_start3A_33] : memref<32x128xf32, #tpu.memory_space<vmem>> -> memref<24x128xf32, #tpu.memory_space<vmem>>
      tpu.enqueue_dma source(%dma_start3A_34 : memref<24x128xf32, #tpu.memory_space<vmem>>) target(%dma_start3A_31 : memref<24x128xf32, #tpu.memory_space<vmem_shared>>) target_semaphore(%run_scoped3A : memref<!tpu.dma_semaphore, #tpu.memory_space<semaphore_mem>>)
      %dma_wait3A = arith.constant 0 : i32
      %dma_wait3A_35 = arith.constant 0 : i32
      %dma_wait3A_36 = tpu.memref_slice %arg12[%dma_wait3A, %dma_wait3A_35] : memref<32x128xf32, #tpu.memory_space<vmem>> -> memref<24x128xf32, #tpu.memory_space<vmem>>
      %dma_wait3A_37 = arith.constant 0 : i32
      %dma_wait3A_38 = tpu.memref_slice %arg13[%add3A_16, %dma_wait3A_37] : memref<10112x128xf32, #tpu.memory_space<vmem_shared>> -> memref<24x128xf32, #tpu.memory_space<vmem_shared>>
      %dma_wait3A_39 = arith.constant 0 : i32
      %dma_wait3A_40 = tpu.memref_slice %arg13[%add3A_16, %dma_wait3A_39] : memref<10112x128xf32, #tpu.memory_space<vmem_shared>> -> memref<24x128xf32, #tpu.memory_space<vmem_shared>>
      %dma_wait3A_41 = arith.constant 0 : i32
      %dma_wait3A_42 = arith.constant 0 : i32
      %dma_wait3A_43 = tpu.memref_slice %arg12[%dma_wait3A_41, %dma_wait3A_42] : memref<32x128xf32, #tpu.memory_space<vmem>> -> memref<24x128xf32, #tpu.memory_space<vmem>>
      tpu.wait_dma2 semaphore(%run_scoped3A : memref<!tpu.dma_semaphore, #tpu.memory_space<semaphore_mem>>) src(%dma_wait3A_43 : memref<24x128xf32, #tpu.memory_space<vmem>>) dst(%dma_wait3A_40 : memref<24x128xf32, #tpu.memory_space<vmem_shared>>)
      tpu.yield
    }) : () -> ()
    %barrier3A = arith.constant 0 : index
    tpu.barrier barrier_id(%barrier3A)
    %mul3A_17 = arith.constant 160 : i32
    %mul3A_18 = arith.muli %add3A, %mul3A_17 : i32
    %scan3A_19 = arith.constant 0 : i32
    %scan3A_20 = arith.constant 0 : i32
    %scan3A_21 = arith.constant 4 : i32
    %scan3A_22 = arith.addi %scan3A_20, %scan3A_21 : i32
    %scan3A_23 = arith.constant 1 : i32
    scf.for %scan3A_26 = %scan3A_20 to %scan3A_22 step %scan3A_23  : i32 {
      %mul3A_27 = arith.constant 40 : i32
      %mul3A_28 = arith.muli %scan3A_26, %mul3A_27 : i32
      %add3A_29 = arith.addi %mul3A_18, %mul3A_28 : i32
      "tpu.region"() ({
        %run_scoped3A = tpu.sem_alloc : memref<!tpu.dma_semaphore, #tpu.memory_space<semaphore_mem>>
        %dma_start3A_65 = arith.constant 0 : i32
        %dma_start3A_66 = tpu.memref_slice %arg3[%add3A_29, %dma_start3A_65] : memref<5120x64xi32, #tpu.memory_space<hbm>> -> memref<40x64xi32, #tpu.memory_space<hbm>>
        %dma_start3A_67 = arith.constant 0 : i32
        %dma_start3A_68 = tpu.memref_slice %arg3[%add3A_29, %dma_start3A_67] : memref<5120x64xi32, #tpu.memory_space<hbm>> -> memref<40x64xi32, #tpu.memory_space<hbm>>
        tpu.enqueue_dma source(%dma_start3A_68 : memref<40x64xi32, #tpu.memory_space<hbm>>) target(%arg6 : memref<40x64xi32, #tpu.memory_space<vmem>>) target_semaphore(%run_scoped3A : memref<!tpu.dma_semaphore, #tpu.memory_space<semaphore_mem>>)
        %dma_wait3A_69 = arith.constant 0 : i32
        %dma_wait3A_70 = tpu.memref_slice %arg3[%add3A_29, %dma_wait3A_69] : memref<5120x64xi32, #tpu.memory_space<hbm>> -> memref<40x64xi32, #tpu.memory_space<hbm>>
        %dma_wait3A_71 = arith.constant 0 : i32
        %dma_wait3A_72 = tpu.memref_slice %arg3[%add3A_29, %dma_wait3A_71] : memref<5120x64xi32, #tpu.memory_space<hbm>> -> memref<40x64xi32, #tpu.memory_space<hbm>>
        tpu.wait_dma2 semaphore(%run_scoped3A : memref<!tpu.dma_semaphore, #tpu.memory_space<semaphore_mem>>) src(%dma_wait3A_72 : memref<40x64xi32, #tpu.memory_space<hbm>>) dst(%arg6 : memref<40x64xi32, #tpu.memory_space<vmem>>)
        tpu.yield
      }) : () -> ()
      %mul3A_30 = arith.constant 40 : i32
      %mul3A_31 = arith.muli %scan3A_26, %mul3A_30 : i32
      %add3A_32 = arith.addi %mul3A_18, %mul3A_31 : i32
      "tpu.region"() ({
        %run_scoped3A = tpu.sem_alloc : memref<!tpu.dma_semaphore, #tpu.memory_space<semaphore_mem>>
        %dma_start3A_65 = arith.constant 0 : i32
        %dma_start3A_66 = tpu.memref_slice %arg4[%add3A_32, %dma_start3A_65] : memref<5120x64xi32, #tpu.memory_space<hbm>> -> memref<40x64xi32, #tpu.memory_space<hbm>>
        %dma_start3A_67 = arith.constant 0 : i32
        %dma_start3A_68 = tpu.memref_slice %arg4[%add3A_32, %dma_start3A_67] : memref<5120x64xi32, #tpu.memory_space<hbm>> -> memref<40x64xi32, #tpu.memory_space<hbm>>
        tpu.enqueue_dma source(%dma_start3A_68 : memref<40x64xi32, #tpu.memory_space<hbm>>) target(%arg7 : memref<40x64xi32, #tpu.memory_space<vmem>>) target_semaphore(%run_scoped3A : memref<!tpu.dma_semaphore, #tpu.memory_space<semaphore_mem>>)
        %dma_wait3A_69 = arith.constant 0 : i32
        %dma_wait3A_70 = tpu.memref_slice %arg4[%add3A_32, %dma_wait3A_69] : memref<5120x64xi32, #tpu.memory_space<hbm>> -> memref<40x64xi32, #tpu.memory_space<hbm>>
        %dma_wait3A_71 = arith.constant 0 : i32
        %dma_wait3A_72 = tpu.memref_slice %arg4[%add3A_32, %dma_wait3A_71] : memref<5120x64xi32, #tpu.memory_space<hbm>> -> memref<40x64xi32, #tpu.memory_space<hbm>>
        tpu.wait_dma2 semaphore(%run_scoped3A : memref<!tpu.dma_semaphore, #tpu.memory_space<semaphore_mem>>) src(%dma_wait3A_72 : memref<40x64xi32, #tpu.memory_space<hbm>>) dst(%arg7 : memref<40x64xi32, #tpu.memory_space<vmem>>)
        tpu.yield
      }) : () -> ()
      %dma_start3A = arith.constant 0 : i32
      %dma_start3A_33 = arith.constant 0 : i32
      %dma_start3A_34 = tpu.memref_slice %arg6[%dma_start3A, %dma_start3A_33] : memref<40x64xi32, #tpu.memory_space<vmem>> -> memref<1x64xi32, #tpu.memory_space<vmem>>
      %dma_start3A_35 = tpu.memref_squeeze %dma_start3A_34 : memref<1x64xi32, #tpu.memory_space<vmem>> -> memref<64xi32, #tpu.memory_space<vmem>>
      %dma_start3A_36 = arith.constant 0 : i32
      %dma_start3A_37 = arith.constant 0 : i32
      %dma_start3A_38 = tpu.memref_slice %arg2[%dma_start3A_36, %dma_start3A_37] : memref<10000x128xf32, #tpu.memory_space<hbm>> -> memref<10000x128xf32, #tpu.memory_space<hbm>>
      tpu.enqueue_indirect_dma source(%dma_start3A_38 : memref<10000x128xf32, #tpu.memory_space<hbm>>) target(%arg8 : memref<64x128xf32, #tpu.memory_space<vmem>>) offsets(%dma_start3A_35 : memref<64xi32, #tpu.memory_space<vmem>>) semaphore(%arg14 : memref<!tpu.dma_semaphore, #tpu.memory_space<semaphore_mem>>)
      %dma_start3A_39 = arith.constant 1 : i32
      %dma_start3A_40 = arith.constant 0 : i32
      %dma_start3A_41 = tpu.memref_slice %arg6[%dma_start3A_39, %dma_start3A_40] : memref<40x64xi32, #tpu.memory_space<vmem>> -> memref<1x64xi32, #tpu.memory_space<vmem>>
      %dma_start3A_42 = tpu.memref_squeeze %dma_start3A_41 : memref<1x64xi32, #tpu.memory_space<vmem>> -> memref<64xi32, #tpu.memory_space<vmem>>
      %dma_start3A_43 = arith.constant 0 : i32
      %dma_start3A_44 = arith.constant 0 : i32
      %dma_start3A_45 = tpu.memref_slice %arg2[%dma_start3A_43, %dma_start3A_44] : memref<10000x128xf32, #tpu.memory_space<hbm>> -> memref<10000x128xf32, #tpu.memory_space<hbm>>
      tpu.enqueue_indirect_dma source(%dma_start3A_45 : memref<10000x128xf32, #tpu.memory_space<hbm>>) target(%arg9 : memref<64x128xf32, #tpu.memory_space<vmem>>) offsets(%dma_start3A_42 : memref<64xi32, #tpu.memory_space<vmem>>) semaphore(%arg14 : memref<!tpu.dma_semaphore, #tpu.memory_space<semaphore_mem>>)
      %dma_start3A_46 = arith.constant 2 : i32
      %dma_start3A_47 = arith.constant 0 : i32
      %dma_start3A_48 = tpu.memref_slice %arg6[%dma_start3A_46, %dma_start3A_47] : memref<40x64xi32, #tpu.memory_space<vmem>> -> memref<1x64xi32, #tpu.memory_space<vmem>>
      %dma_start3A_49 = tpu.memref_squeeze %dma_start3A_48 : memref<1x64xi32, #tpu.memory_space<vmem>> -> memref<64xi32, #tpu.memory_space<vmem>>
      %dma_start3A_50 = arith.constant 0 : i32
      %dma_start3A_51 = arith.constant 0 : i32
      %dma_start3A_52 = tpu.memref_slice %arg2[%dma_start3A_50, %dma_start3A_51] : memref<10000x128xf32, #tpu.memory_space<hbm>> -> memref<10000x128xf32, #tpu.memory_space<hbm>>
      tpu.enqueue_indirect_dma source(%dma_start3A_52 : memref<10000x128xf32, #tpu.memory_space<hbm>>) target(%arg10 : memref<64x128xf32, #tpu.memory_space<vmem>>) offsets(%dma_start3A_49 : memref<64xi32, #tpu.memory_space<vmem>>) semaphore(%arg14 : memref<!tpu.dma_semaphore, #tpu.memory_space<semaphore_mem>>)
      %scan3A_53 = arith.constant 0 : i32
      %scan3A_54 = arith.constant 0 : i32
      %scan3A_55 = arith.constant 10 : i32
      %scan3A_56 = arith.addi %scan3A_54, %scan3A_55 : i32
      %scan3A_57 = arith.constant 1 : i32
      scf.for %scan3A_65 = %scan3A_54 to %scan3A_56 step %scan3A_57  : i32 {
        %mul3A_66 = arith.constant 4 : i32
        %mul3A_67 = arith.muli %scan3A_65, %mul3A_66 : i32
        %dma_wait3A_68 = arith.constant 0 : i32
        %dma_wait3A_69 = arith.constant 0 : i32
        %dma_wait3A_70 = tpu.memref_slice %arg6[%dma_wait3A_68, %dma_wait3A_69] : memref<40x64xi32, #tpu.memory_space<vmem>> -> memref<1x64xi32, #tpu.memory_space<vmem>>
        %dma_wait3A_71 = tpu.memref_squeeze %dma_wait3A_70 : memref<1x64xi32, #tpu.memory_space<vmem>> -> memref<64xi32, #tpu.memory_space<vmem>>
        %dma_wait3A_72 = arith.constant 0 : i32
        %dma_wait3A_73 = arith.constant 0 : i32
        %dma_wait3A_74 = tpu.memref_slice %arg2[%dma_wait3A_72, %dma_wait3A_73] : memref<10000x128xf32, #tpu.memory_space<hbm>> -> memref<10000x128xf32, #tpu.memory_space<hbm>>
        tpu.wait_indirect_dma semaphore(%arg14 : memref<!tpu.dma_semaphore, #tpu.memory_space<semaphore_mem>>) src(%dma_wait3A_74 : memref<10000x128xf32, #tpu.memory_space<hbm>>) dst(%arg8 : memref<64x128xf32, #tpu.memory_space<vmem>>)
        %add3A_75 = arith.constant 0 : i32
        %add3A_76 = arith.addi %mul3A_67, %add3A_75 : i32
        %gt3A = arith.constant 0 : i32
        %gt3A_77 = arith.cmpi sgt, %add3A_76, %gt3A : i32
        %convert_element_type3A = arith.extui %gt3A_77 : i1 to i32
        %cond3A = arith.constant 0 : i32
        %cond3A_78 = arith.cmpi ne, %convert_element_type3A, %cond3A : i32
        scf.if %cond3A_78 {
          %dma_wait3A_172 = arith.constant 0 : i32
          %dma_wait3A_173 = arith.constant 0 : i32
          %dma_wait3A_174 = tpu.memref_slice %arg7[%dma_wait3A_172, %dma_wait3A_173] : memref<40x64xi32, #tpu.memory_space<vmem>> -> memref<1x64xi32, #tpu.memory_space<vmem>>
          %dma_wait3A_175 = tpu.memref_squeeze %dma_wait3A_174 : memref<1x64xi32, #tpu.memory_space<vmem>> -> memref<64xi32, #tpu.memory_space<vmem>>
          %dma_wait3A_176 = arith.constant 0 : i32
          %dma_wait3A_177 = arith.constant 0 : i32
          %dma_wait3A_178 = tpu.memref_slice %arg13[%dma_wait3A_176, %dma_wait3A_177] : memref<10112x128xf32, #tpu.memory_space<vmem_shared>> -> memref<10112x128xf32, #tpu.memory_space<vmem_shared>>
          tpu.wait_indirect_dma semaphore(%arg15 : memref<!tpu.dma_semaphore, #tpu.memory_space<semaphore_mem>>) src(%arg8 : memref<64x128xf32, #tpu.memory_space<vmem>>) dst(%dma_wait3A_178 : memref<10112x128xf32, #tpu.memory_space<vmem_shared>>)
        } else {
        }
        %add3A_79 = arith.constant 3 : i32
        %add3A_80 = arith.addi %add3A_76, %add3A_79 : i32
        %lt3A = arith.constant 40 : i32
        %lt3A_81 = arith.cmpi slt, %add3A_80, %lt3A : i32
        %convert_element_type3A_82 = arith.extui %lt3A_81 : i1 to i32
        %cond3A_83 = arith.constant 0 : i32
        %cond3A_84 = arith.cmpi ne, %convert_element_type3A_82, %cond3A_83 : i32
        scf.if %cond3A_84 {
          %dma_start3A_172 = arith.constant 0 : i32
          %dma_start3A_173 = tpu.memref_slice %arg6[%add3A_80, %dma_start3A_172] : memref<40x64xi32, #tpu.memory_space<vmem>> -> memref<1x64xi32, #tpu.memory_space<vmem>>
          %dma_start3A_174 = tpu.memref_squeeze %dma_start3A_173 : memref<1x64xi32, #tpu.memory_space<vmem>> -> memref<64xi32, #tpu.memory_space<vmem>>
          %dma_start3A_175 = arith.constant 0 : i32
          %dma_start3A_176 = arith.constant 0 : i32
          %dma_start3A_177 = tpu.memref_slice %arg2[%dma_start3A_175, %dma_start3A_176] : memref<10000x128xf32, #tpu.memory_space<hbm>> -> memref<10000x128xf32, #tpu.memory_space<hbm>>
          tpu.enqueue_indirect_dma source(%dma_start3A_177 : memref<10000x128xf32, #tpu.memory_space<hbm>>) target(%arg11 : memref<64x128xf32, #tpu.memory_space<vmem>>) offsets(%dma_start3A_174 : memref<64xi32, #tpu.memory_space<vmem>>) semaphore(%arg14 : memref<!tpu.dma_semaphore, #tpu.memory_space<semaphore_mem>>)
        } else {
        }
        %dma_start3A_85 = arith.constant 0 : i32
        %dma_start3A_86 = tpu.memref_slice %arg7[%add3A_76, %dma_start3A_85] : memref<40x64xi32, #tpu.memory_space<vmem>> -> memref<1x64xi32, #tpu.memory_space<vmem>>
        %dma_start3A_87 = tpu.memref_squeeze %dma_start3A_86 : memref<1x64xi32, #tpu.memory_space<vmem>> -> memref<64xi32, #tpu.memory_space<vmem>>
        %dma_start3A_88 = arith.constant 0 : i32
        %dma_start3A_89 = arith.constant 0 : i32
        %dma_start3A_90 = tpu.memref_slice %arg13[%dma_start3A_88, %dma_start3A_89] : memref<10112x128xf32, #tpu.memory_space<vmem_shared>> -> memref<10112x128xf32, #tpu.memory_space<vmem_shared>>
        tpu.enqueue_indirect_dma source(%arg8 : memref<64x128xf32, #tpu.memory_space<vmem>>) target(%dma_start3A_90 : memref<10112x128xf32, #tpu.memory_space<vmem_shared>>) offsets(%dma_start3A_87 : memref<64xi32, #tpu.memory_space<vmem>>) semaphore(%arg15 : memref<!tpu.dma_semaphore, #tpu.memory_space<semaphore_mem>>) {add = true}
        %dma_wait3A_91 = arith.constant 0 : i32
        %dma_wait3A_92 = arith.constant 0 : i32
        %dma_wait3A_93 = tpu.memref_slice %arg6[%dma_wait3A_91, %dma_wait3A_92] : memref<40x64xi32, #tpu.memory_space<vmem>> -> memref<1x64xi32, #tpu.memory_space<vmem>>
        %dma_wait3A_94 = tpu.memref_squeeze %dma_wait3A_93 : memref<1x64xi32, #tpu.memory_space<vmem>> -> memref<64xi32, #tpu.memory_space<vmem>>
        %dma_wait3A_95 = arith.constant 0 : i32
        %dma_wait3A_96 = arith.constant 0 : i32
        %dma_wait3A_97 = tpu.memref_slice %arg2[%dma_wait3A_95, %dma_wait3A_96] : memref<10000x128xf32, #tpu.memory_space<hbm>> -> memref<10000x128xf32, #tpu.memory_space<hbm>>
        tpu.wait_indirect_dma semaphore(%arg14 : memref<!tpu.dma_semaphore, #tpu.memory_space<semaphore_mem>>) src(%dma_wait3A_97 : memref<10000x128xf32, #tpu.memory_space<hbm>>) dst(%arg9 : memref<64x128xf32, #tpu.memory_space<vmem>>)
        %add3A_98 = arith.constant 1 : i32
        %add3A_99 = arith.addi %mul3A_67, %add3A_98 : i32
        %gt3A_100 = arith.constant 0 : i32
        %gt3A_101 = arith.cmpi sgt, %add3A_99, %gt3A_100 : i32
        %convert_element_type3A_102 = arith.extui %gt3A_101 : i1 to i32
        %cond3A_103 = arith.constant 0 : i32
        %cond3A_104 = arith.cmpi ne, %convert_element_type3A_102, %cond3A_103 : i32
        scf.if %cond3A_104 {
          %dma_wait3A_172 = arith.constant 0 : i32
          %dma_wait3A_173 = arith.constant 0 : i32
          %dma_wait3A_174 = tpu.memref_slice %arg7[%dma_wait3A_172, %dma_wait3A_173] : memref<40x64xi32, #tpu.memory_space<vmem>> -> memref<1x64xi32, #tpu.memory_space<vmem>>
          %dma_wait3A_175 = tpu.memref_squeeze %dma_wait3A_174 : memref<1x64xi32, #tpu.memory_space<vmem>> -> memref<64xi32, #tpu.memory_space<vmem>>
          %dma_wait3A_176 = arith.constant 0 : i32
          %dma_wait3A_177 = arith.constant 0 : i32
          %dma_wait3A_178 = tpu.memref_slice %arg13[%dma_wait3A_176, %dma_wait3A_177] : memref<10112x128xf32, #tpu.memory_space<vmem_shared>> -> memref<10112x128xf32, #tpu.memory_space<vmem_shared>>
          tpu.wait_indirect_dma semaphore(%arg15 : memref<!tpu.dma_semaphore, #tpu.memory_space<semaphore_mem>>) src(%arg8 : memref<64x128xf32, #tpu.memory_space<vmem>>) dst(%dma_wait3A_178 : memref<10112x128xf32, #tpu.memory_space<vmem_shared>>)
        } else {
        }
        %add3A_105 = arith.constant 3 : i32
        %add3A_106 = arith.addi %add3A_99, %add3A_105 : i32
        %lt3A_107 = arith.constant 40 : i32
        %lt3A_108 = arith.cmpi slt, %add3A_106, %lt3A_107 : i32
        %convert_element_type3A_109 = arith.extui %lt3A_108 : i1 to i32
        %cond3A_110 = arith.constant 0 : i32
        %cond3A_111 = arith.cmpi ne, %convert_element_type3A_109, %cond3A_110 : i32
        scf.if %cond3A_111 {
          %dma_start3A_172 = arith.constant 0 : i32
          %dma_start3A_173 = tpu.memref_slice %arg6[%add3A_106, %dma_start3A_172] : memref<40x64xi32, #tpu.memory_space<vmem>> -> memref<1x64xi32, #tpu.memory_space<vmem>>
          %dma_start3A_174 = tpu.memref_squeeze %dma_start3A_173 : memref<1x64xi32, #tpu.memory_space<vmem>> -> memref<64xi32, #tpu.memory_space<vmem>>
          %dma_start3A_175 = arith.constant 0 : i32
          %dma_start3A_176 = arith.constant 0 : i32
          %dma_start3A_177 = tpu.memref_slice %arg2[%dma_start3A_175, %dma_start3A_176] : memref<10000x128xf32, #tpu.memory_space<hbm>> -> memref<10000x128xf32, #tpu.memory_space<hbm>>
          tpu.enqueue_indirect_dma source(%dma_start3A_177 : memref<10000x128xf32, #tpu.memory_space<hbm>>) target(%arg8 : memref<64x128xf32, #tpu.memory_space<vmem>>) offsets(%dma_start3A_174 : memref<64xi32, #tpu.memory_space<vmem>>) semaphore(%arg14 : memref<!tpu.dma_semaphore, #tpu.memory_space<semaphore_mem>>)
        } else {
        }
        %dma_start3A_112 = arith.constant 0 : i32
        %dma_start3A_113 = tpu.memref_slice %arg7[%add3A_99, %dma_start3A_112] : memref<40x64xi32, #tpu.memory_space<vmem>> -> memref<1x64xi32, #tpu.memory_space<vmem>>
        %dma_start3A_114 = tpu.memref_squeeze %dma_start3A_113 : memref<1x64xi32, #tpu.memory_space<vmem>> -> memref<64xi32, #tpu.memory_space<vmem>>
        %dma_start3A_115 = arith.constant 0 : i32
        %dma_start3A_116 = arith.constant 0 : i32
        %dma_start3A_117 = tpu.memref_slice %arg13[%dma_start3A_115, %dma_start3A_116] : memref<10112x128xf32, #tpu.memory_space<vmem_shared>> -> memref<10112x128xf32, #tpu.memory_space<vmem_shared>>
        tpu.enqueue_indirect_dma source(%arg9 : memref<64x128xf32, #tpu.memory_space<vmem>>) target(%dma_start3A_117 : memref<10112x128xf32, #tpu.memory_space<vmem_shared>>) offsets(%dma_start3A_114 : memref<64xi32, #tpu.memory_space<vmem>>) semaphore(%arg15 : memref<!tpu.dma_semaphore, #tpu.memory_space<semaphore_mem>>) {add = true}
        %dma_wait3A_118 = arith.constant 0 : i32
        %dma_wait3A_119 = arith.constant 0 : i32
        %dma_wait3A_120 = tpu.memref_slice %arg6[%dma_wait3A_118, %dma_wait3A_119] : memref<40x64xi32, #tpu.memory_space<vmem>> -> memref<1x64xi32, #tpu.memory_space<vmem>>
        %dma_wait3A_121 = tpu.memref_squeeze %dma_wait3A_120 : memref<1x64xi32, #tpu.memory_space<vmem>> -> memref<64xi32, #tpu.memory_space<vmem>>
        %dma_wait3A_122 = arith.constant 0 : i32
        %dma_wait3A_123 = arith.constant 0 : i32
        %dma_wait3A_124 = tpu.memref_slice %arg2[%dma_wait3A_122, %dma_wait3A_123] : memref<10000x128xf32, #tpu.memory_space<hbm>> -> memref<10000x128xf32, #tpu.memory_space<hbm>>
        tpu.wait_indirect_dma semaphore(%arg14 : memref<!tpu.dma_semaphore, #tpu.memory_space<semaphore_mem>>) src(%dma_wait3A_124 : memref<10000x128xf32, #tpu.memory_space<hbm>>) dst(%arg10 : memref<64x128xf32, #tpu.memory_space<vmem>>)
        %add3A_125 = arith.constant 2 : i32
        %add3A_126 = arith.addi %mul3A_67, %add3A_125 : i32
        %gt3A_127 = arith.constant 0 : i32
        %gt3A_128 = arith.cmpi sgt, %add3A_126, %gt3A_127 : i32
        %convert_element_type3A_129 = arith.extui %gt3A_128 : i1 to i32
        %cond3A_130 = arith.constant 0 : i32
        %cond3A_131 = arith.cmpi ne, %convert_element_type3A_129, %cond3A_130 : i32
        scf.if %cond3A_131 {
          %dma_wait3A_172 = arith.constant 0 : i32
          %dma_wait3A_173 = arith.constant 0 : i32
          %dma_wait3A_174 = tpu.memref_slice %arg7[%dma_wait3A_172, %dma_wait3A_173] : memref<40x64xi32, #tpu.memory_space<vmem>> -> memref<1x64xi32, #tpu.memory_space<vmem>>
          %dma_wait3A_175 = tpu.memref_squeeze %dma_wait3A_174 : memref<1x64xi32, #tpu.memory_space<vmem>> -> memref<64xi32, #tpu.memory_space<vmem>>
          %dma_wait3A_176 = arith.constant 0 : i32
          %dma_wait3A_177 = arith.constant 0 : i32
          %dma_wait3A_178 = tpu.memref_slice %arg13[%dma_wait3A_176, %dma_wait3A_177] : memref<10112x128xf32, #tpu.memory_space<vmem_shared>> -> memref<10112x128xf32, #tpu.memory_space<vmem_shared>>
          tpu.wait_indirect_dma semaphore(%arg15 : memref<!tpu.dma_semaphore, #tpu.memory_space<semaphore_mem>>) src(%arg8 : memref<64x128xf32, #tpu.memory_space<vmem>>) dst(%dma_wait3A_178 : memref<10112x128xf32, #tpu.memory_space<vmem_shared>>)
        } else {
        }
        %add3A_132 = arith.constant 3 : i32
        %add3A_133 = arith.addi %add3A_126, %add3A_132 : i32
        %lt3A_134 = arith.constant 40 : i32
        %lt3A_135 = arith.cmpi slt, %add3A_133, %lt3A_134 : i32
        %convert_element_type3A_136 = arith.extui %lt3A_135 : i1 to i32
        %cond3A_137 = arith.constant 0 : i32
        %cond3A_138 = arith.cmpi ne, %convert_element_type3A_136, %cond3A_137 : i32
        scf.if %cond3A_138 {
          %dma_start3A_172 = arith.constant 0 : i32
          %dma_start3A_173 = tpu.memref_slice %arg6[%add3A_133, %dma_start3A_172] : memref<40x64xi32, #tpu.memory_space<vmem>> -> memref<1x64xi32, #tpu.memory_space<vmem>>
          %dma_start3A_174 = tpu.memref_squeeze %dma_start3A_173 : memref<1x64xi32, #tpu.memory_space<vmem>> -> memref<64xi32, #tpu.memory_space<vmem>>
          %dma_start3A_175 = arith.constant 0 : i32
          %dma_start3A_176 = arith.constant 0 : i32
          %dma_start3A_177 = tpu.memref_slice %arg2[%dma_start3A_175, %dma_start3A_176] : memref<10000x128xf32, #tpu.memory_space<hbm>> -> memref<10000x128xf32, #tpu.memory_space<hbm>>
          tpu.enqueue_indirect_dma source(%dma_start3A_177 : memref<10000x128xf32, #tpu.memory_space<hbm>>) target(%arg9 : memref<64x128xf32, #tpu.memory_space<vmem>>) offsets(%dma_start3A_174 : memref<64xi32, #tpu.memory_space<vmem>>) semaphore(%arg14 : memref<!tpu.dma_semaphore, #tpu.memory_space<semaphore_mem>>)
        } else {
        }
        %dma_start3A_139 = arith.constant 0 : i32
        %dma_start3A_140 = tpu.memref_slice %arg7[%add3A_126, %dma_start3A_139] : memref<40x64xi32, #tpu.memory_space<vmem>> -> memref<1x64xi32, #tpu.memory_space<vmem>>
        %dma_start3A_141 = tpu.memref_squeeze %dma_start3A_140 : memref<1x64xi32, #tpu.memory_space<vmem>> -> memref<64xi32, #tpu.memory_space<vmem>>
        %dma_start3A_142 = arith.constant 0 : i32
        %dma_start3A_143 = arith.constant 0 : i32
        %dma_start3A_144 = tpu.memref_slice %arg13[%dma_start3A_142, %dma_start3A_143] : memref<10112x128xf32, #tpu.memory_space<vmem_shared>> -> memref<10112x128xf32, #tpu.memory_space<vmem_shared>>
        tpu.enqueue_indirect_dma source(%arg10 : memref<64x128xf32, #tpu.memory_space<vmem>>) target(%dma_start3A_144 : memref<10112x128xf32, #tpu.memory_space<vmem_shared>>) offsets(%dma_start3A_141 : memref<64xi32, #tpu.memory_space<vmem>>) semaphore(%arg15 : memref<!tpu.dma_semaphore, #tpu.memory_space<semaphore_mem>>) {add = true}
        %dma_wait3A_145 = arith.constant 0 : i32
        %dma_wait3A_146 = arith.constant 0 : i32
        %dma_wait3A_147 = tpu.memref_slice %arg6[%dma_wait3A_145, %dma_wait3A_146] : memref<40x64xi32, #tpu.memory_space<vmem>> -> memref<1x64xi32, #tpu.memory_space<vmem>>
        %dma_wait3A_148 = tpu.memref_squeeze %dma_wait3A_147 : memref<1x64xi32, #tpu.memory_space<vmem>> -> memref<64xi32, #tpu.memory_space<vmem>>
        %dma_wait3A_149 = arith.constant 0 : i32
        %dma_wait3A_150 = arith.constant 0 : i32
        %dma_wait3A_151 = tpu.memref_slice %arg2[%dma_wait3A_149, %dma_wait3A_150] : memref<10000x128xf32, #tpu.memory_space<hbm>> -> memref<10000x128xf32, #tpu.memory_space<hbm>>
        tpu.wait_indirect_dma semaphore(%arg14 : memref<!tpu.dma_semaphore, #tpu.memory_space<semaphore_mem>>) src(%dma_wait3A_151 : memref<10000x128xf32, #tpu.memory_space<hbm>>) dst(%arg11 : memref<64x128xf32, #tpu.memory_space<vmem>>)
        %add3A_152 = arith.constant 3 : i32
        %add3A_153 = arith.addi %mul3A_67, %add3A_152 : i32
        %gt3A_154 = arith.constant 0 : i32
        %gt3A_155 = arith.cmpi sgt, %add3A_153, %gt3A_154 : i32
        %convert_element_type3A_156 = arith.extui %gt3A_155 : i1 to i32
        %cond3A_157 = arith.constant 0 : i32
        %cond3A_158 = arith.cmpi ne, %convert_element_type3A_156, %cond3A_157 : i32
        scf.if %cond3A_158 {
          %dma_wait3A_172 = arith.constant 0 : i32
          %dma_wait3A_173 = arith.constant 0 : i32
          %dma_wait3A_174 = tpu.memref_slice %arg7[%dma_wait3A_172, %dma_wait3A_173] : memref<40x64xi32, #tpu.memory_space<vmem>> -> memref<1x64xi32, #tpu.memory_space<vmem>>
          %dma_wait3A_175 = tpu.memref_squeeze %dma_wait3A_174 : memref<1x64xi32, #tpu.memory_space<vmem>> -> memref<64xi32, #tpu.memory_space<vmem>>
          %dma_wait3A_176 = arith.constant 0 : i32
          %dma_wait3A_177 = arith.constant 0 : i32
          %dma_wait3A_178 = tpu.memref_slice %arg13[%dma_wait3A_176, %dma_wait3A_177] : memref<10112x128xf32, #tpu.memory_space<vmem_shared>> -> memref<10112x128xf32, #tpu.memory_space<vmem_shared>>
          tpu.wait_indirect_dma semaphore(%arg15 : memref<!tpu.dma_semaphore, #tpu.memory_space<semaphore_mem>>) src(%arg8 : memref<64x128xf32, #tpu.memory_space<vmem>>) dst(%dma_wait3A_178 : memref<10112x128xf32, #tpu.memory_space<vmem_shared>>)
        } else {
        }
        %add3A_159 = arith.constant 3 : i32
        %add3A_160 = arith.addi %add3A_153, %add3A_159 : i32
        %lt3A_161 = arith.constant 40 : i32
        %lt3A_162 = arith.cmpi slt, %add3A_160, %lt3A_161 : i32
        %convert_element_type3A_163 = arith.extui %lt3A_162 : i1 to i32
        %cond3A_164 = arith.constant 0 : i32
        %cond3A_165 = arith.cmpi ne, %convert_element_type3A_163, %cond3A_164 : i32
        scf.if %cond3A_165 {
          %dma_start3A_172 = arith.constant 0 : i32
          %dma_start3A_173 = tpu.memref_slice %arg6[%add3A_160, %dma_start3A_172] : memref<40x64xi32, #tpu.memory_space<vmem>> -> memref<1x64xi32, #tpu.memory_space<vmem>>
          %dma_start3A_174 = tpu.memref_squeeze %dma_start3A_173 : memref<1x64xi32, #tpu.memory_space<vmem>> -> memref<64xi32, #tpu.memory_space<vmem>>
          %dma_start3A_175 = arith.constant 0 : i32
          %dma_start3A_176 = arith.constant 0 : i32
          %dma_start3A_177 = tpu.memref_slice %arg2[%dma_start3A_175, %dma_start3A_176] : memref<10000x128xf32, #tpu.memory_space<hbm>> -> memref<10000x128xf32, #tpu.memory_space<hbm>>
          tpu.enqueue_indirect_dma source(%dma_start3A_177 : memref<10000x128xf32, #tpu.memory_space<hbm>>) target(%arg10 : memref<64x128xf32, #tpu.memory_space<vmem>>) offsets(%dma_start3A_174 : memref<64xi32, #tpu.memory_space<vmem>>) semaphore(%arg14 : memref<!tpu.dma_semaphore, #tpu.memory_space<semaphore_mem>>)
        } else {
        }
        %dma_start3A_166 = arith.constant 0 : i32
        %dma_start3A_167 = tpu.memref_slice %arg7[%add3A_153, %dma_start3A_166] : memref<40x64xi32, #tpu.memory_space<vmem>> -> memref<1x64xi32, #tpu.memory_space<vmem>>
        %dma_start3A_168 = tpu.memref_squeeze %dma_start3A_167 : memref<1x64xi32, #tpu.memory_space<vmem>> -> memref<64xi32, #tpu.memory_space<vmem>>
        %dma_start3A_169 = arith.constant 0 : i32
        %dma_start3A_170 = arith.constant 0 : i32
        %dma_start3A_171 = tpu.memref_slice %arg13[%dma_start3A_169, %dma_start3A_170] : memref<10112x128xf32, #tpu.memory_space<vmem_shared>> -> memref<10112x128xf32, #tpu.memory_space<vmem_shared>>
        tpu.enqueue_indirect_dma source(%arg11 : memref<64x128xf32, #tpu.memory_space<vmem>>) target(%dma_start3A_171 : memref<10112x128xf32, #tpu.memory_space<vmem_shared>>) offsets(%dma_start3A_168 : memref<64xi32, #tpu.memory_space<vmem>>) semaphore(%arg15 : memref<!tpu.dma_semaphore, #tpu.memory_space<semaphore_mem>>) {add = true}
      }
      %scan3A_58 = arith.constant 10 : i32
      %dma_wait3A = arith.constant 0 : i32
      %dma_wait3A_59 = arith.constant 0 : i32
      %dma_wait3A_60 = tpu.memref_slice %arg7[%dma_wait3A, %dma_wait3A_59] : memref<40x64xi32, #tpu.memory_space<vmem>> -> memref<1x64xi32, #tpu.memory_space<vmem>>
      %dma_wait3A_61 = tpu.memref_squeeze %dma_wait3A_60 : memref<1x64xi32, #tpu.memory_space<vmem>> -> memref<64xi32, #tpu.memory_space<vmem>>
      %dma_wait3A_62 = arith.constant 0 : i32
      %dma_wait3A_63 = arith.constant 0 : i32
      %dma_wait3A_64 = tpu.memref_slice %arg13[%dma_wait3A_62, %dma_wait3A_63] : memref<10112x128xf32, #tpu.memory_space<vmem_shared>> -> memref<10112x128xf32, #tpu.memory_space<vmem_shared>>
      tpu.wait_indirect_dma semaphore(%arg15 : memref<!tpu.dma_semaphore, #tpu.memory_space<semaphore_mem>>) src(%arg8 : memref<64x128xf32, #tpu.memory_space<vmem>>) dst(%dma_wait3A_64 : memref<10112x128xf32, #tpu.memory_space<vmem_shared>>)
    }
    %scan3A_24 = arith.constant 4 : i32
    %barrier3A_25 = arith.constant 0 : index
    tpu.barrier barrier_id(%barrier3A_25)
    "tpu.region"() ({
      %run_scoped3A = tpu.sem_alloc : memref<!tpu.dma_semaphore, #tpu.memory_space<semaphore_mem>>
      %dma_start3A = arith.constant 0 : i32
      %dma_start3A_26 = tpu.memref_slice %arg5[%arg0, %mul3A_8, %dma_start3A] : memref<2x10112x128xf32, #tpu.memory_space<hbm>> -> memref<1x632x128xf32, #tpu.memory_space<hbm>>
      %dma_start3A_27 = tpu.memref_squeeze %dma_start3A_26 : memref<1x632x128xf32, #tpu.memory_space<hbm>> -> memref<632x128xf32, #tpu.memory_space<hbm>>
      %dma_start3A_28 = arith.constant 0 : i32
      %dma_start3A_29 = tpu.memref_slice %arg13[%mul3A_8, %dma_start3A_28] : memref<10112x128xf32, #tpu.memory_space<vmem_shared>> -> memref<632x128xf32, #tpu.memory_space<vmem_shared>>
      tpu.enqueue_dma source(%dma_start3A_29 : memref<632x128xf32, #tpu.memory_space<vmem_shared>>) target(%dma_start3A_27 : memref<632x128xf32, #tpu.memory_space<hbm>>) target_semaphore(%run_scoped3A : memref<!tpu.dma_semaphore, #tpu.memory_space<semaphore_mem>>)
      %dma_wait3A = arith.constant 0 : i32
      %dma_wait3A_30 = tpu.memref_slice %arg5[%arg0, %mul3A_8, %dma_wait3A] : memref<2x10112x128xf32, #tpu.memory_space<hbm>> -> memref<1x632x128xf32, #tpu.memory_space<hbm>>
      %dma_wait3A_31 = tpu.memref_squeeze %dma_wait3A_30 : memref<1x632x128xf32, #tpu.memory_space<hbm>> -> memref<632x128xf32, #tpu.memory_space<hbm>>
      %dma_wait3A_32 = arith.constant 0 : i32
      %dma_wait3A_33 = tpu.memref_slice %arg13[%mul3A_8, %dma_wait3A_32] : memref<10112x128xf32, #tpu.memory_space<vmem_shared>> -> memref<632x128xf32, #tpu.memory_space<vmem_shared>>
      tpu.wait_dma2 semaphore(%run_scoped3A : memref<!tpu.dma_semaphore, #tpu.memory_space<semaphore_mem>>) src(%dma_wait3A_33 : memref<632x128xf32, #tpu.memory_space<vmem_shared>>) dst(%dma_wait3A_31 : memref<632x128xf32, #tpu.memory_space<hbm>>)
      tpu.yield
    }) : () -> ()
    return
  }
}

module attributes {stable_mosaic.version = 14 : i64} {
  func.func @_mlp_body(%arg0: i32, %arg1: memref<1000x128xf32, #tpu.memory_space<vmem>>, %arg2: memref<1x1000x128xf32, #tpu.memory_space<vmem>>, %arg3: memref<1x1000x128xf32, #tpu.memory_space<vmem>>, %arg4: memref<128x128xf32, #tpu.memory_space<vmem>>, %arg5: memref<1x128xf32, #tpu.memory_space<vmem>>, %arg6: memref<128x128xf32, #tpu.memory_space<vmem>>, %arg7: memref<1x128xf32, #tpu.memory_space<vmem>>, %arg8: memref<128x128xf32, #tpu.memory_space<vmem>>, %arg9: memref<1x128xf32, #tpu.memory_space<vmem>>, %arg10: memref<128x40xf32, #tpu.memory_space<vmem>>, %arg11: memref<1x40xf32, #tpu.memory_space<vmem>>, %arg12: memref<1000x40xf32, #tpu.memory_space<vmem>>) attributes {dimension_semantics = [#tpu.dimension_semantics<arbitrary>], iteration_bounds = array<i64: 10>, scalar_prefetch = 0 : i64, scratch_operands = 0 : i64, tpu.core_type = #tpu.core_type<tc>, window_params = [{transform_indices = @transform_0, window_bounds = array<i64: 1000, 128>}, {transform_indices = @transform_1, window_bounds = array<i64: 1, 1000, 128>}, {transform_indices = @transform_2, window_bounds = array<i64: 1, 1000, 128>}, {pipeline_mode = #tpu.pipeline_mode<synchronous>, transform_indices = @transform_3, window_bounds = array<i64: 128, 128>}, {pipeline_mode = #tpu.pipeline_mode<synchronous>, transform_indices = @transform_4, window_bounds = array<i64: 1, 128>}, {pipeline_mode = #tpu.pipeline_mode<synchronous>, transform_indices = @transform_5, window_bounds = array<i64: 128, 128>}, {pipeline_mode = #tpu.pipeline_mode<synchronous>, transform_indices = @transform_6, window_bounds = array<i64: 1, 128>}, {pipeline_mode = #tpu.pipeline_mode<synchronous>, transform_indices = @transform_7, window_bounds = array<i64: 128, 128>}, {pipeline_mode = #tpu.pipeline_mode<synchronous>, transform_indices = @transform_8, window_bounds = array<i64: 1, 128>}, {pipeline_mode = #tpu.pipeline_mode<synchronous>, transform_indices = @transform_9, window_bounds = array<i64: 128, 40>}, {pipeline_mode = #tpu.pipeline_mode<synchronous>, transform_indices = @transform_10, window_bounds = array<i64: 1, 40>}, {transform_indices = @transform_11, window_bounds = array<i64: 1000, 40>}]} {
    %get3A = arith.constant 0 : index
    %get3A_0 = arith.constant 0 : index
    %get3A_1 = vector.load %arg1[%get3A, %get3A_0] : memref<1000x128xf32, #tpu.memory_space<vmem>>, vector<1000x128xf32>
    %get3A_2 = arith.constant 0 : index
    %get3A_3 = arith.constant 0 : index
    %get3A_4 = arith.constant 0 : index
    %get3A_5 = vector.load %arg2[%get3A_2, %get3A_3, %get3A_4] : memref<1x1000x128xf32, #tpu.memory_space<vmem>>, vector<1x1000x128xf32>
    %get3A_6 = vector.shape_cast %get3A_5 : vector<1x1000x128xf32> to vector<1000x128xf32>
    %add3A = arith.addf %get3A_1, %get3A_6 : vector<1000x128xf32>
    %get3A_7 = arith.constant 0 : index
    %get3A_8 = arith.constant 0 : index
    %get3A_9 = arith.constant 0 : index
    %get3A_10 = vector.load %arg3[%get3A_7, %get3A_8, %get3A_9] : memref<1x1000x128xf32, #tpu.memory_space<vmem>>, vector<1x1000x128xf32>
    %get3A_11 = vector.shape_cast %get3A_10 : vector<1x1000x128xf32> to vector<1000x128xf32>
    %add3A_12 = arith.addf %add3A, %get3A_11 : vector<1000x128xf32>
    %get3A_13 = arith.constant 0 : index
    %get3A_14 = arith.constant 0 : index
    %get3A_15 = vector.load %arg4[%get3A_13, %get3A_14] : memref<128x128xf32, #tpu.memory_space<vmem>>, vector<128x128xf32>
    %convert_element_type3A = arith.truncf %add3A_12 : vector<1000x128xf32> to vector<1000x128xbf16>
    %convert_element_type3A_16 = arith.truncf %get3A_15 : vector<128x128xf32> to vector<128x128xbf16>
    %dot_general3A = arith.constant dense<0.000000e+00> : vector<1000x128xf32>
    %dot_general3A_17 = tpu.matmul %convert_element_type3A, %convert_element_type3A_16, %dot_general3A {dimension_numbers = #tpu.dot_dimension_numbers<[1], [0], [0], [1], [0, 0, 1, 1], [], []>, transpose_lhs_hint = false} : vector<1000x128xbf16>, vector<128x128xbf16>, vector<1000x128xf32> -> vector<1000x128xf32>
    %get3A_18 = arith.constant 0 : index
    %get3A_19 = arith.constant 0 : index
    %get3A_20 = vector.load %arg5[%get3A_18, %get3A_19] : memref<1x128xf32, #tpu.memory_space<vmem>>, vector<1x128xf32>
    %add3A_21 = vector.broadcast %get3A_20 : vector<1x128xf32> to vector<1000x128xf32>
    %add3A_22 = arith.addf %dot_general3A_17, %add3A_21 : vector<1000x128xf32>
    %max3A = arith.constant 0.000000e+00 : f32
    %max3A_23 = vector.broadcast %max3A : f32 to vector<1000x128xf32>
    %max3A_24 = arith.maximumf %add3A_22, %max3A_23 : vector<1000x128xf32>
    %get3A_25 = arith.constant 0 : index
    %get3A_26 = arith.constant 0 : index
    %get3A_27 = vector.load %arg6[%get3A_25, %get3A_26] : memref<128x128xf32, #tpu.memory_space<vmem>>, vector<128x128xf32>
    %convert_element_type3A_28 = arith.truncf %max3A_24 : vector<1000x128xf32> to vector<1000x128xbf16>
    %convert_element_type3A_29 = arith.truncf %get3A_27 : vector<128x128xf32> to vector<128x128xbf16>
    %dot_general3A_30 = arith.constant dense<0.000000e+00> : vector<1000x128xf32>
    %dot_general3A_31 = tpu.matmul %convert_element_type3A_28, %convert_element_type3A_29, %dot_general3A_30 {dimension_numbers = #tpu.dot_dimension_numbers<[1], [0], [0], [1], [0, 0, 1, 1], [], []>, transpose_lhs_hint = false} : vector<1000x128xbf16>, vector<128x128xbf16>, vector<1000x128xf32> -> vector<1000x128xf32>
    %get3A_32 = arith.constant 0 : index
    %get3A_33 = arith.constant 0 : index
    %get3A_34 = vector.load %arg7[%get3A_32, %get3A_33] : memref<1x128xf32, #tpu.memory_space<vmem>>, vector<1x128xf32>
    %add3A_35 = vector.broadcast %get3A_34 : vector<1x128xf32> to vector<1000x128xf32>
    %add3A_36 = arith.addf %dot_general3A_31, %add3A_35 : vector<1000x128xf32>
    %get3A_37 = arith.constant 0 : index
    %get3A_38 = arith.constant 0 : index
    %get3A_39 = vector.load %arg8[%get3A_37, %get3A_38] : memref<128x128xf32, #tpu.memory_space<vmem>>, vector<128x128xf32>
    %convert_element_type3A_40 = arith.truncf %add3A_36 : vector<1000x128xf32> to vector<1000x128xbf16>
    %convert_element_type3A_41 = arith.truncf %get3A_39 : vector<128x128xf32> to vector<128x128xbf16>
    %dot_general3A_42 = arith.constant dense<0.000000e+00> : vector<1000x128xf32>
    %dot_general3A_43 = tpu.matmul %convert_element_type3A_40, %convert_element_type3A_41, %dot_general3A_42 {dimension_numbers = #tpu.dot_dimension_numbers<[1], [0], [0], [1], [0, 0, 1, 1], [], []>, transpose_lhs_hint = false} : vector<1000x128xbf16>, vector<128x128xbf16>, vector<1000x128xf32> -> vector<1000x128xf32>
    %get3A_44 = arith.constant 0 : index
    %get3A_45 = arith.constant 0 : index
    %get3A_46 = vector.load %arg9[%get3A_44, %get3A_45] : memref<1x128xf32, #tpu.memory_space<vmem>>, vector<1x128xf32>
    %add3A_47 = vector.broadcast %get3A_46 : vector<1x128xf32> to vector<1000x128xf32>
    %add3A_48 = arith.addf %dot_general3A_43, %add3A_47 : vector<1000x128xf32>
    %max3A_49 = arith.constant 0.000000e+00 : f32
    %max3A_50 = vector.broadcast %max3A_49 : f32 to vector<1000x128xf32>
    %max3A_51 = arith.maximumf %add3A_48, %max3A_50 : vector<1000x128xf32>
    %get3A_52 = arith.constant 0 : index
    %get3A_53 = arith.constant 0 : index
    %get3A_54 = vector.load %arg10[%get3A_52, %get3A_53] : memref<128x40xf32, #tpu.memory_space<vmem>>, vector<128x40xf32>
    %convert_element_type3A_55 = arith.truncf %max3A_51 : vector<1000x128xf32> to vector<1000x128xbf16>
    %convert_element_type3A_56 = arith.truncf %get3A_54 : vector<128x40xf32> to vector<128x40xbf16>
    %dot_general3A_57 = arith.constant dense<0.000000e+00> : vector<1000x40xf32>
    %dot_general3A_58 = tpu.matmul %convert_element_type3A_55, %convert_element_type3A_56, %dot_general3A_57 {dimension_numbers = #tpu.dot_dimension_numbers<[1], [0], [0], [1], [0, 0, 1, 1], [], []>, transpose_lhs_hint = false} : vector<1000x128xbf16>, vector<128x40xbf16>, vector<1000x40xf32> -> vector<1000x40xf32>
    %get3A_59 = arith.constant 0 : index
    %get3A_60 = arith.constant 0 : index
    %get3A_61 = vector.load %arg11[%get3A_59, %get3A_60] : memref<1x40xf32, #tpu.memory_space<vmem>>, vector<1x40xf32>
    %add3A_62 = vector.broadcast %get3A_61 : vector<1x40xf32> to vector<1000x40xf32>
    %add3A_63 = arith.addf %dot_general3A_58, %add3A_62 : vector<1000x40xf32>
    %reduce_max3A = arith.constant dense<0xFF800000> : vector<1000xf32>
    %reduce_max3A_64 = vector.multi_reduction <maximumf>, %add3A_63, %reduce_max3A [1] : vector<1000x40xf32> to vector<1000xf32>
    %broadcast_in_dim3A = vector.shape_cast %reduce_max3A_64 : vector<1000xf32> to vector<1000x1xf32>
    %sub3A = vector.broadcast %broadcast_in_dim3A : vector<1000x1xf32> to vector<1000x40xf32>
    %sub3A_65 = arith.subf %add3A_63, %sub3A : vector<1000x40xf32>
    %exp3A = math.exp %sub3A_65 : vector<1000x40xf32>
    %reduce_sum3A = arith.constant dense<0.000000e+00> : vector<1000xf32>
    %reduce_sum3A_66 = vector.multi_reduction <add>, %exp3A, %reduce_sum3A [1] : vector<1000x40xf32> to vector<1000xf32>
    %broadcast_in_dim3A_67 = vector.shape_cast %reduce_sum3A_66 : vector<1000xf32> to vector<1000x1xf32>
    %log3A = math.log %broadcast_in_dim3A_67 : vector<1000x1xf32>
    %add3A_68 = arith.addf %log3A, %broadcast_in_dim3A : vector<1000x1xf32>
    %sub3A_69 = vector.broadcast %add3A_68 : vector<1000x1xf32> to vector<1000x40xf32>
    %sub3A_70 = arith.subf %add3A_63, %sub3A_69 : vector<1000x40xf32>
    %swap3A = arith.constant 0 : index
    %swap3A_71 = arith.constant 0 : index
    %swap3A_72 = vector.load %arg12[%swap3A, %swap3A_71] : memref<1000x40xf32, #tpu.memory_space<vmem>>, vector<1000x40xf32>
    tpu.vector_store %arg12[%swap3A, %swap3A_71], %sub3A_70 {strides = array<i32>} : memref<1000x40xf32, #tpu.memory_space<vmem>>, vector<1000x40xf32>,
    return
  }
  func.func @transform_0(%arg0: i32) -> (i32, i32) {
    %c0_i32 = arith.constant 0 : i32
    %c0_i32_0 = arith.constant 0 : i32
    return %arg0, %c0_i32 : i32, i32
  }
  func.func @transform_1(%arg0: i32) -> (i32, i32, i32) {
    %c0_i32 = arith.constant 0 : i32
    %c0_i32_0 = arith.constant 0 : i32
    %c0_i32_1 = arith.constant 0 : i32
    return %c0_i32, %arg0, %c0_i32_0 : i32, i32, i32
  }
  func.func @transform_2(%arg0: i32) -> (i32, i32, i32) {
    %c1_i32 = arith.constant 1 : i32
    %c0_i32 = arith.constant 0 : i32
    %c0_i32_0 = arith.constant 0 : i32
    return %c1_i32, %arg0, %c0_i32 : i32, i32, i32
  }
  func.func @transform_3(%arg0: i32) -> (i32, i32) {
    %c0_i32 = arith.constant 0 : i32
    %c0_i32_0 = arith.constant 0 : i32
    %c0_i32_1 = arith.constant 0 : i32
    return %c0_i32, %c0_i32_0 : i32, i32
  }
  func.func @transform_4(%arg0: i32) -> (i32, i32) {
    %c0_i32 = arith.constant 0 : i32
    %c0_i32_0 = arith.constant 0 : i32
    %c0_i32_1 = arith.constant 0 : i32
    return %c0_i32, %c0_i32_0 : i32, i32
  }
  func.func @transform_5(%arg0: i32) -> (i32, i32) {
    %c0_i32 = arith.constant 0 : i32
    %c0_i32_0 = arith.constant 0 : i32
    %c0_i32_1 = arith.constant 0 : i32
    return %c0_i32, %c0_i32_0 : i32, i32
  }
  func.func @transform_6(%arg0: i32) -> (i32, i32) {
    %c0_i32 = arith.constant 0 : i32
    %c0_i32_0 = arith.constant 0 : i32
    %c0_i32_1 = arith.constant 0 : i32
    return %c0_i32, %c0_i32_0 : i32, i32
  }
  func.func @transform_7(%arg0: i32) -> (i32, i32) {
    %c0_i32 = arith.constant 0 : i32
    %c0_i32_0 = arith.constant 0 : i32
    %c0_i32_1 = arith.constant 0 : i32
    return %c0_i32, %c0_i32_0 : i32, i32
  }
  func.func @transform_8(%arg0: i32) -> (i32, i32) {
    %c0_i32 = arith.constant 0 : i32
    %c0_i32_0 = arith.constant 0 : i32
    %c0_i32_1 = arith.constant 0 : i32
    return %c0_i32, %c0_i32_0 : i32, i32
  }
  func.func @transform_9(%arg0: i32) -> (i32, i32) {
    %c0_i32 = arith.constant 0 : i32
    %c0_i32_0 = arith.constant 0 : i32
    %c0_i32_1 = arith.constant 0 : i32
    return %c0_i32, %c0_i32_0 : i32, i32
  }
  func.func @transform_10(%arg0: i32) -> (i32, i32) {
    %c0_i32 = arith.constant 0 : i32
    %c0_i32_0 = arith.constant 0 : i32
    %c0_i32_1 = arith.constant 0 : i32
    return %c0_i32, %c0_i32_0 : i32, i32
  }
  func.func @transform_11(%arg0: i32) -> (i32, i32) {
    %c0_i32 = arith.constant 0 : i32
    %c0_i32_0 = arith.constant 0 : i32
    return %arg0, %c0_i32 : i32, i32
  }
}

</mosaic_0001>

<sc_bundles>
// kernel: kernel.4.cloned.1.call-start
scs
__scs_entry_jumppad:
0x0: {  	(pc) =	sbr.rel $0x88, $3  }
0x1: {  	(tag) =	ssettag $0x0;
	lr =	simm.s32 $0x1  }
0x2: {  	[smem:$0x3F97] =	sst lr;
	_ =	strace $0xD0000000  }
0x3: {  	_ = 	snop  }
0x4: {  	_ = 	snop  }
0x5: {  	_ = 	snop  }
0x6: {  	_ = 	snop  }
0x7: {  	_ = 	snop  }
__scs_overlays_trampoline_lowered:
0x8: {  	[smem:$0x3FA6] =	sst s0  }
0x9: {  	[smem:$0x3FA7] =	sst s1  }
0xa: {  	[smem:$0x3FA8] =	sst s2  }
0xb: {  	[smem:$0x3FA9] =	sst s3  }
0xc: {  	[smem:$0x3FAA] =	sst s4  }
0xd: {  	[smem:$0x3FAB] =	sst s5  }
0xe: {  	[smem:$0x3FAC] =	sst s6  }
0xf: {  	[smem:$0x3FAD] =	sst s7  }
0x10: {  	[smem:$0x3FAE] =	sst s8  }
0x11: {  	[smem:$0x3FAF] =	sst s9;
	s0 =	simm.s32 @!p0 $0x0  }
0x12: {  	s1 =	sld [smem:$0x3F95];
	s0 =	simm.s32 @p0 $0x1  }
0x13: {  	[smem:$0x3FB0] =	sst s0;
	s0 =	simm.s32 @!p1 $0x0  }
0x14: {  	s2 =	sld [smem:$0x3F94];
	s0 =	simm.s32 @p1 $0x1  }
0x15: {  	[smem:$0x3FB1] =	sst s0;
	s0 =	simm.s32 @!p2 $0x0  }
0x16: {  	s3 =	sld [smem:$0x3FDB];
	s0 =	simm.s32 @p2 $0x1  }
0x17: {  	s4 =	simm.s32 $0x1BF5;
	[smem:$0x3FB3] =	sst s0  }
0x18: {  	s0 =	sld [smem:$0x3F96];
	_ =	swait.ge [sflag:s4], $0x0  }
0x19: {  	s7 =	sld [smem:$0x3F97]  }
0x1a: {  	s8 =	sadd.s32 $0xFFFFE003, lr  }
0x1b: {  	s9 =	sadd.s32 $0xFFFFFEF7, lr;
	s5 =	simm.s32 $0xFFFFFFFF;
	p2 =	slt.u32 s8, $0xFFFFF086  }
0x1c: {  	p1 =	slt.u32 s9, $0xF7A;
	s5 =	simm.s32 @!p2 $0x0  }
0x1d: {  	s5 =	simm.s32 @p1 $0x1;
	p0 =	seq.s32 s7, s2  }
0x1e: {  	s7 =	smul.u32 @!p0 $0xF7A, s2;
	p2 =	seq.s32 @!p0 s5, $0x0  }
0x1f: {  	s9 =	smul.u32 $0xF7A, s1;
	s8 =	simm.s32 @!p0 $0x1BF5;
	p2 =	por !p2, p0  }
0x20: {  	[sflag:s8] =	ssyncset.s32 @!p0 $0xFFFFF086;
	s6 =	sadd.s32 @!p0 s3, s7;
	s7 =	simm.s32 @!p0 $0x108  }
0x21: {  	s3 =	sadd.s32 s3, s9;
	s6 =	sadd.s32 @!p0 $0x88, s6;
	s7 =	simm.s32 @p2 $0x1082  }
0x22: {  	[simem:s7], [sflag:s8] =	dma.local @!p0 [hbm:s6], $0xF7A  }
0x23: {  	s9 =	sor.u32 $0xD0000000, s2;
	s6 =	simm.s32 $0x108;
	_ =	swait.ge @!p0 [sflag:s8], $0x0  }
0x24: {  	s3 =	sadd.s32 $0x88, s3;
	s6 =	simm.s32 @!p1 $0x1082;
	[sflag:s4] =	ssyncset.s32 $0xFFFFF086  }
0x25: {  	[simem:s6], [sflag:s4] =	dma.local [hbm:s3], $0xF7A  }
0x26: {  	[smem:$0x3F97] =	sst s1;
	(tag) =	ssettag s2;
	_ =	strace s9  }
0x27: {  	s1 =	sld [smem:$0x3FA7]  }
0x28: {  	s2 =	sld [smem:$0x3FA8]  }
0x29: {  	s4 =	sld [smem:$0x3FAA]  }
0x2a: {  	p0 =	seq.s32 s5, $0x0;
	s5 =	sld [smem:$0x3FAB]  }
0x2b: {  	s6 =	sld [smem:$0x3FAC]  }
0x2c: {  	s7 =	sld [smem:$0x3FAD]  }
0x2d: {  	s3 =	simm.s32 $0x108;
	s8 =	sld [smem:$0x3FAE]  }
0x2e: {  	s3 =	simm.s32 @!p0 $0x1082;
	s9 =	sld [smem:$0x3FAF]  }
0x2f: {  	lr =	sadd.s32 s0, s3;
	s0 =	sld [smem:$0x3FA6]  }
0x30: {  	s3 =	sld [smem:$0x3FA9]  }
0x31: {  	[smem:$0x3FB2] =	sst s10  }
0x32: {  	s10 =	sld [smem:$0x3FB0];
	_ =	sdelay $0x3  }
0x33: {  	p0 =	seq.s32 s10, $0x1;
	s10 =	sld [smem:$0x3FB2];
	_ =	sdelay $0x3  }
0x34: {  	[smem:$0x3FB2] =	sst s10  }
0x35: {  	s10 =	sld [smem:$0x3FB1];
	_ =	sdelay $0x3  }
0x36: {  	p1 =	seq.s32 s10, $0x1;
	s10 =	sld [smem:$0x3FB2];
	_ =	sdelay $0x3  }
0x37: {  	[smem:$0x3FB2] =	sst s10  }
0x38: {  	s10 =	sld [smem:$0x3FB3]  }
0x39: {  	_ = 	snop;
	(pc) =	sbr.ind lr, $3  }
0x3a: {  	_ = 	snop  }
0x3b: {  	_ = 	snop  }
0x3c: {  	p2 =	seq.s32 s10, $0x1;
	s10 =	sld [smem:$0x3FB2]  }
0x3d: {  	_ =	shalt  }
0x3e: {  	_ =	shalt  }
0x3f: {  	_ =	shalt  }
0x40: {  	_ =	shalt  }
0x41: {  	_ =	shalt  }
0x42: {  	_ =	shalt  }
0x43: {  	_ =	shalt  }
0x44: {  	_ =	shalt  }
0x45: {  	_ =	shalt  }
0x46: {  	_ =	shalt  }
0x47: {  	_ =	shalt  }
0x48: {  	_ =	shalt  }
0x49: {  	_ =	shalt  }
0x4a: {  	_ =	shalt  }
0x4b: {  	_ =	shalt  }
0x4c: {  	_ =	shalt  }
0x4d: {  	_ =	shalt  }
0x4e: {  	_ =	shalt  }
0x4f: {  	_ =	shalt  }
0x50: {  	_ =	shalt  }
0x51: {  	_ =	shalt  }
0x52: {  	_ =	shalt  }
0x53: {  	_ =	shalt  }
0x54: {  	_ =	shalt  }
0x55: {  	_ =	shalt  }
0x56: {  	_ =	shalt  }
0x57: {  	_ =	shalt  }
0x58: {  	_ =	shalt  }
0x59: {  	_ =	shalt  }
0x5a: {  	_ =	shalt  }
0x5b: {  	_ =	shalt  }
0x5c: {  	_ =	shalt  }
0x5d: {  	_ =	shalt  }
0x5e: {  	_ =	shalt  }
0x5f: {  	_ =	shalt  }
0x60: {  	_ =	shalt  }
0x61: {  	_ =	shalt  }
0x62: {  	_ =	shalt  }
0x63: {  	_ =	shalt  }
0x64: {  	_ =	shalt  }
0x65: {  	_ =	shalt  }
0x66: {  	_ =	shalt  }
0x67: {  	_ =	shalt  }
0x68: {  	_ =	shalt  }
0x69: {  	_ =	shalt  }
0x6a: {  	_ =	shalt  }
0x6b: {  	_ =	shalt  }
0x6c: {  	_ =	shalt  }
0x6d: {  	_ =	shalt  }
0x6e: {  	_ =	shalt  }
0x6f: {  	_ =	shalt  }
0x70: {  	_ =	shalt  }
0x71: {  	_ =	shalt  }
0x72: {  	_ =	shalt  }
0x73: {  	_ =	shalt  }
0x74: {  	_ =	shalt  }
0x75: {  	_ =	shalt  }
0x76: {  	_ =	shalt  }
0x77: {  	_ =	shalt  }
0x78: {  	_ =	shalt  }
0x79: {  	_ =	shalt  }
0x7a: {  	_ =	shalt  }
0x7b: {  	_ =	shalt  }
0x7c: {  	_ =	shalt  }
0x7d: {  	_ =	shalt  }
0x7e: {  	_ =	shalt  }
0x7f: {  	_ =	shalt  }
0x80: {  	_ =	shalt  }
0x81: {  	_ =	shalt  }
0x82: {  	_ =	shalt  }
0x83: {  	_ =	shalt  }
0x84: {  	_ =	shalt  }
0x85: {  	_ =	shalt  }
0x86: {  	_ =	shalt  }
0x87: {  	_ =	shalt  }
.Lfunc_end0:
.L_simem_size_0:
called_computation_lowered:
.L_overlay_start_0:
0x88: {  	s2 =	sld [smem:$0x3FD9]  }
0x89: {  	s3 =	sld [smem:$0x3FFE];
	_ =	sdelay $0x1  }
0x8a: {  	s1 =	srdreg.scid  }
0x8b: {  	s0 =	sand.u32 $0x1, s1  }
0x8c: {  	s17 =	sshll.u32 s0, $0xA;
	s2 =	sadd.s32 s3, s2  }
0x8d: {  	s2 =	sadd.s32 s2, s17  }
0x8e: {  	[smem:$0x3FBE] =	sst s2  }
0x8f: {  	_ = 	snop  }
0x90: {  	s2 =	sld [smem:$0x3FC9];
	(tm) =	ssettm $0x1  }
0x91: {  	s18 =	sld [smem:$0x3FFB];
	_ =	sdelay $0x3  }
0x92: {  	_ =	strace s18  }
0x93: {  	s3 =	sld [smem:$0x3FFC];
	_ =	sdelay $0x3  }
0x94: {  	_ =	strace s3  }
0x95: {  	s3 =	sld [smem:$0x3FFD];
	_ =	sdelay $0x3  }
0x96: {  	_ =	strace s3  }
0x97: {  	_ =	strace $0x8FFFFFFF  }
0x98: {  	s19 =	sld [smem:$0x3FDB];
	_ =	sdelay $0x1  }
0x99: {  	s4 =	simm.s32 $_scs_section_size  }
0x9a: {  	s5 =	simm.s32 $_size__tile_overlayer_lowered;
	s6 =	simm.s32 $_tile_overlayer_lowered  }
0x9b: {  	s22 =	simm.s32 $0x1BFF;
	s21 =	sshll.u32 s6, $0x1;
	s3 =	sadd.s32 s4, s19  }
0x9c: {  	s7 =	simm.s32 $0x0;
	s20 =	sshll.u32 s5, $0x1;
	s5 =	sadd.s32 s21, s3  }
0x9d: {  	[timem:s7], [sflag:s22] =	dma.local [hbm:s5], s20  }
0x9e: {  	_ =	swait.ge [sflag:s22], s20  }
0x9f: {  	s4 =	ssub.s32 $0x0, s20;
	[sflag:s22] =	ssyncset.done $0x0  }
0xa0: {  	[sflag:s22] =	ssyncadd.s32 s4;
	_ =	sdelay $0x1  }
0xa1: {  	s23 =	simm.s32 $0x1B8B  }
0xa2: {  	_ =	swait.ge [sflag:s23], $0x1  }
0xa3: {  	[sflag:s23] =	ssyncset.done $0x0  }
0xa4: {  	s25 =	simm.s32 $0x1B8E;
	s24 =	sld [smem:$0x3FFE];
	[sflag:s23] =	ssyncadd.s32 $0xFFFFFFFF  }
0xa5: {  	s26 =	simm.s32 $execute0_lowered;
	[smem:$0x3FD2] =	sst s25  }
0xa6: {  	s5 =	sshll.u32 s26, $0x1;
	_ =	strace $0x80000046;
	[dreg:$0x1] =	wrdreg $0xFFFFFFFF  }
0xa7: {  	s28 =	simm.s32 $_size_execute0_lowered;
	s3 =	sadd.s32 s3, s5;
	[dreg:$0x0] =	wrdreg $0x0  }
0xa8: {  	s5 =	sshll.u32 s28, $0x1;
	[dreg:$0x2] =	wrdreg s3  }
0xa9: {  	[dreg:$0x3] =	wrdreg s5  }
0xaa: {  	[dreg:$0x4] =	wrdreg $0xC0  }
0xab: {  	_ =	task [dreg:s7], $0x5FFFF  }
0xac: {  	[dreg:$0x1] =	wrdreg $0xFFFFFFFF  }
0xad: {  	[dreg:$0x0] =	wrdreg $0x60  }
0xae: {  	[dreg:$0x2] =	wrdreg s2  }
0xaf: {  	[dreg:$0x3] =	wrdreg s24  }
0xb0: {  	[dreg:$0x4] =	wrdreg $0xB8000  }
0xb1: {  	[dreg:$0x5] =	wrdreg $0x9  }
0xb2: {  	_ =	task.clear_ibuf [dreg:s7], $0x6FFFF;
	_ =	strace $0x90000046  }
0xb3: {  	s29 =	simm.s32 $0x9;
	_ =	strace $0x80000048  }
0xb4: {  	_ =	swait.ge [sflag:s29], $0x1  }
0xb5: {  	[sflag:s29] =	ssyncadd.s32 $0xFFFFFFFF  }
0xb6: {  	_ =	strace $0x90000048  }
0xb7: {  	_ =	sfence  }
0xb8: {  	s30 =	sld [smem:$0x0];
	_ =	sdelay $0x2  }
0xb9: {  	s31 =	sshll.u32 s1, $0xD;
	s1 =	sshrl.u32 s1, $0x2  }
0xba: {  	s3 =	sand.u32 $0x4000, s31;
	s1 =	sadd.s32 s1, s30  }
0xbb: {  	s0 =	sor.u32 s3, s0;
	s1 =	sshll.u32 s1, $0x11  }
0xbc: {  	s0 =	sor.u32 s1, s0  }
0xbd: {  	s0 =	sadd.s32 $0x8F2B, s0  }
0xbe: {  	[sflag:s0] =	ssyncadd.remote.s32 $0x1  }
0xbf: {  	_ =	sfence.sel $0xFFFF  }
0xc0: {  	[dreg:$0x0] =	wrdreg $0xFFFFFFFF;
	(pc) =	sbr.abs _section_cstart, $3  }
0xc1: {  	[dreg:$0x1] =	wrdreg $0xFFFFFFFF  }
0xc2: {  	_ =	task.clear_ibuf [dreg:s7], $0x2FFFF;
	_ =	strace $0x9FFFFFFF  }
0xc3: {  	(tm) =	ssettm $0x7FFFFFFF  }
tec
execute0_lowered:
.L_overlay_start_1:
0x0: {  	(tag) =	ssettag $0x1  }
0x1: {  	s9 =	stileid.u32  }
0x2: {  	s0 =	rddreg [dreg:$0x0];
	s7 =	smul.u32 $0x4F000, s9  }
0x3: {  	s1 =	rddreg [dreg:$0x1]  }
0x4: {  	s3 =	rddreg [dreg:$0x2];
	s6 =	simm.s32 $0x0;
	s7 =	sshrl.u32 s7, $0x2  }
0x5: {  	[smem:$0x7FF] =	sst s6;
	s30 =	sadd.s32 s7, s3  }
0x6: {  	_ =	strace $0x80000047;
	s7 =	sadd.s32 $0x13000, s30;
	[dreg:$0x4] =	wrdreg s30  }
0x7: {  	s12 =	sadd.s32 $0x1000, s30;
	[dreg:$0x5] =	wrdreg s7  }
0x8: {  	s13 =	sadd.s32 $0x2000, s30;
	[dreg:$0x8] =	wrdreg s12  }
0x9: {  	s2 =	srdreg.scid;
	s14 =	sadd.s32 $0x3000, s30;
	[dreg:$0x9] =	wrdreg s13  }
0xa: {  	s2 =	sand.u32 $0x1, s2;
	s15 =	sadd.s32 $0x4000, s30;
	[dreg:$0xa] =	wrdreg s14  }
0xb: {  	s5 =	smul.u32 $0x13C00, s9;
	s16 =	sadd.s32 $0x5000, s30;
	[dreg:$0xb] =	wrdreg s15  }
0xc: {  	s6 =	sadd.s32 $0x15800, s1;
	s17 =	sadd.s32 $0x6000, s30;
	[dreg:$0xc] =	wrdreg s16  }
0xd: {  	s4 =	smul.u32 $0x13C000, s2;
	s18 =	sadd.s32 $0x7000, s30;
	[dreg:$0xd] =	wrdreg s17  }
0xe: {  	s10 =	ssub.s32 $0x2, s2;
	s19 =	sadd.s32 $0x8000, s30;
	[dreg:$0xe] =	wrdreg s18  }
0xf: {  	s2 =	sshll.u32 s2, $0x4;
	s20 =	sadd.s32 $0x9000, s30;
	[dreg:$0xf] =	wrdreg s19  }
0x10: {  	s8 =	sshrl.u32 s10, $0x1;
	s21 =	sadd.s32 $0xA000, s30;
	[dreg:$0x10] =	wrdreg s20  }
0x11: {  	s2 =	sor.u32 s9, s2;
	s22 =	sadd.s32 $0xB000, s30;
	[dreg:$0x11] =	wrdreg s21  }
0x12: {  	s4 =	sadd.s32 s5, s4;
	s23 =	sadd.s32 $0xC000, s30;
	[dreg:$0x12] =	wrdreg s22  }
0x13: {  	s5 =	sadd.s32 $0x1800, s1;
	s24 =	sadd.s32 $0xD000, s30;
	[dreg:$0x13] =	wrdreg s23  }
0x14: {  	s9 =	smul.u32 $0xA0, s2;
	s25 =	sadd.s32 $0xE000, s30;
	[dreg:$0x14] =	wrdreg s24  }
0x15: {  	s2 =	simm.s32 $0x1400;
	s26 =	sadd.s32 $0xF000, s30;
	[dreg:$0x15] =	wrdreg s25  }
0x16: {  	s4 =	sshrl.u32 s4, $0x3;
	s28 =	sadd.s32 $0x10000, s30;
	[dreg:$0x16] =	wrdreg s26  }
0x17: {  	s29 =	sadd.s32 $0x11000, s30;
	s31 =	sadd.s32 $0x12000, s30;
	[dreg:$0x17] =	wrdreg s28  }
0x18: {  	s1 =	sadd.s32 s4, s1;
	s4 =	ssub.s32 s10, s8;
	[dreg:$0x18] =	wrdreg s29  }
0x19: {  	[dreg:$0x19] =	wrdreg s31;
	s8 =	simm.s32 $0x2800;
	s10 =	simm.s32 $0x80  }
0x1a: {  	s12 =	simm.s32 $0x100;
	s13 =	simm.s32 $0x6800;
	s14 =	simm.s32 $0x1  }
0x1b: {  	s15 =	simm.s32 $0x180;
	s16 =	simm.s32 $0x8800;
	s17 =	simm.s32 $0x2  }
.Ltmp0:
0x1c: {  	s18 =	simm.s32 $0x200;
	s19 =	simm.s32 $0x1480;
	(pc) =	sbr.rel .LBB2_1-.Ltmp0, $4  }
0x1d: {  	s20 =	simm.s32 $0x280;
	s21 =	simm.s32 $0x1500;
	s22 =	simm.s32 $0x300  }
0x1e: {  	s23 =	simm.s32 $0x1580;
	s24 =	simm.s32 $0x0;
	s1 =	sadd.s32 $0x29800, s1  }
0x1f: {  	s11 =	smax.u32 s4, $0x1;
	s4 =	simm.s32 $0x40;
	[dreg:$0x6] =	wrdreg s1  }
0x20: {  	v0 =	vimm.f32 $0.0e+00;
	[dreg:$0x7] =	wrdreg s11;
	s1 =	simm.s32 $0x3;
	s11 =	simm.s32 $0x4800  }
.LBB2_8:
0x21: {  	s7 =	stileid.u32;
	[bflag:$0x0] =	sbarrier.arrive $0xFFFF  }
0x22: {  	s7 =	sshll.u32 s7, $0x6;
	s30 =	rddreg [dreg:$0x4]  }
0x23: {  	s25 =	rddreg [dreg:$0x6];
	s7 =	sor.u32 $0x1C03, s7;
	s24 =	sshrl.u32 s30, $0x3  }
0x24: {  	[hbm:s25], [sflag:s7] =	dma.local [spmem:s24], $0x2780  }
0x25: {  	_ =	swait.ge [sflag:s1], $0x2780  }
0x26: {  	s29 =	rddreg [dreg:$0x1a]  }
0x27: {  	s31 =	rddreg [dreg:$0x7];
	s24 =	sadd.s32 $0x1, s29  }
0x28: {  	p0 =	sne.s32 s24, s31  }
.Ltmp1:
0x29: {  	_ = 	snop;
	(pc) =	sbr.rel @!p0 .LBB2_9-.Ltmp1, $3  }
0x2a: {  	_ =	sdelay $0x1  }
0x2b: {  	[sflag:s1] =	ssyncset.done $0x0  }
0x2c: {  	[sflag:s1] =	ssyncadd.s32 $0xFFFFD880  }
.LBB2_1:
0x2d: {  	s7 =	simm.s32 $0x0  }
0x2e: {  	s25 =	sand.u32 $0x3E00, s7  }
0x2f: {  	[dreg:$0x1a] =	wrdreg s24;
	s26 =	sand.u32 $0x70, s7;
	s28 =	sshrl.u32 s25, $0x2  }
0x30: {  	s25 =	simm.s32 $0x40;
	s28 =	sor.u32 s26, s28;
	s26 =	simm.s32 $0x0  }
.LBB2_2:
0x31: {  	p0 =	sne.s32 s25, $0x3FC0  }
0x32: {  	[tilespmem:s28+$0xA800] =	vst v0;
	s26 =	sadd.s32 $0x10, s26;
	s28 =	smov.u32 s25;
	s25 =	sadd.s32 $0x40, s25  }
.Ltmp2:
0x33: {  	(pc) =	sbr.rel @p0 .LBB2_2-.Ltmp2, $4  }
0x34: {  	_ = 	snop  }
0x35: {  	s28 =	sand.u32 $0x3E00, s28  }
0x36: {  	s29 =	sand.u32 $0x70, s26;
	s28 =	sshrl.u32 s28, $0x2  }
0x37: {  	s28 =	sor.u32 s29, s28  }
0x38: {  	[tilespmem:s28+$0xA800] =	vst v0;
	s24 =	simm.s32 $0xA800  }
0x39: {  	[spmem:s30] =	stream.linear.scatter [tilespmem:s24], [sflag:$0x3], $0x1000, $0x38;
	[tilespmem:$0x1F400] =	vst v63  }
0x3a: {  	_ =	swait.ge [sflag:s1], $0x1000  }
0x3b: {  	[sflag:s1] =	ssyncset.done $0x0  }
0x3c: {  	s7 =	rddreg [dreg:$0x8];
	[sflag:s1] =	ssyncadd.s32 $0xFFFFF000  }
0x3d: {  	[spmem:s7] =	stream.linear.scatter [tilespmem:s24], [sflag:$0x3], $0x1000, $0x38;
	[tilespmem:$0x1F400] =	vst v63  }
0x3e: {  	_ =	swait.ge [sflag:s1], $0x1000  }
0x3f: {  	[sflag:s1] =	ssyncset.done $0x0  }
0x40: {  	s25 =	rddreg [dreg:$0x9];
	[sflag:s1] =	ssyncadd.s32 $0xFFFFF000  }
0x41: {  	[spmem:s25] =	stream.linear.scatter [tilespmem:s24], [sflag:$0x3], $0x1000, $0x38;
	[tilespmem:$0x1F400] =	vst v63  }
0x42: {  	_ =	swait.ge [sflag:s1], $0x1000  }
0x43: {  	[sflag:s1] =	ssyncset.done $0x0  }
0x44: {  	s26 =	rddreg [dreg:$0xa];
	[sflag:s1] =	ssyncadd.s32 $0xFFFFF000  }
0x45: {  	[spmem:s26] =	stream.linear.scatter [tilespmem:s24], [sflag:$0x3], $0x1000, $0x38;
	[tilespmem:$0x1F400] =	vst v63  }
0x46: {  	_ =	swait.ge [sflag:s1], $0x1000  }
0x47: {  	[sflag:s1] =	ssyncset.done $0x0  }
0x48: {  	s28 =	rddreg [dreg:$0xb];
	[sflag:s1] =	ssyncadd.s32 $0xFFFFF000  }
0x49: {  	[spmem:s28] =	stream.linear.scatter [tilespmem:s24], [sflag:$0x3], $0x1000, $0x38;
	[tilespmem:$0x1F400] =	vst v63  }
0x4a: {  	_ =	swait.ge [sflag:s1], $0x1000  }
0x4b: {  	[sflag:s1] =	ssyncset.done $0x0  }
0x4c: {  	s29 =	rddreg [dreg:$0xc];
	[sflag:s1] =	ssyncadd.s32 $0xFFFFF000  }
0x4d: {  	[spmem:s29] =	stream.linear.scatter [tilespmem:s24], [sflag:$0x3], $0x1000, $0x38;
	[tilespmem:$0x1F400] =	vst v63  }
0x4e: {  	_ =	swait.ge [sflag:s1], $0x1000  }
0x4f: {  	[sflag:s1] =	ssyncset.done $0x0  }
0x50: {  	s30 =	rddreg [dreg:$0xd];
	[sflag:s1] =	ssyncadd.s32 $0xFFFFF000  }
0x51: {  	[spmem:s30] =	stream.linear.scatter [tilespmem:s24], [sflag:$0x3], $0x1000, $0x38;
	[tilespmem:$0x1F400] =	vst v63  }
0x52: {  	_ =	swait.ge [sflag:s1], $0x1000  }
0x53: {  	[sflag:s1] =	ssyncset.done $0x0  }
0x54: {  	s31 =	rddreg [dreg:$0xe];
	[sflag:s1] =	ssyncadd.s32 $0xFFFFF000  }
0x55: {  	[spmem:s31] =	stream.linear.scatter [tilespmem:s24], [sflag:$0x3], $0x1000, $0x38;
	[tilespmem:$0x1F400] =	vst v63  }
0x56: {  	_ =	swait.ge [sflag:s1], $0x1000  }
0x57: {  	[sflag:s1] =	ssyncset.done $0x0  }
0x58: {  	s25 =	rddreg [dreg:$0xf];
	[sflag:s1] =	ssyncadd.s32 $0xFFFFF000  }
0x59: {  	[spmem:s25] =	stream.linear.scatter [tilespmem:s24], [sflag:$0x3], $0x1000, $0x38;
	[tilespmem:$0x1F400] =	vst v63  }
0x5a: {  	_ =	swait.ge [sflag:s1], $0x1000  }
0x5b: {  	[sflag:s1] =	ssyncset.done $0x0  }
0x5c: {  	s26 =	rddreg [dreg:$0x10];
	[sflag:s1] =	ssyncadd.s32 $0xFFFFF000  }
0x5d: {  	[spmem:s26] =	stream.linear.scatter [tilespmem:s24], [sflag:$0x3], $0x1000, $0x38;
	[tilespmem:$0x1F400] =	vst v63  }
0x5e: {  	_ =	swait.ge [sflag:s1], $0x1000  }
0x5f: {  	[sflag:s1] =	ssyncset.done $0x0  }
0x60: {  	s28 =	rddreg [dreg:$0x11];
	[sflag:s1] =	ssyncadd.s32 $0xFFFFF000  }
0x61: {  	[spmem:s28] =	stream.linear.scatter [tilespmem:s24], [sflag:$0x3], $0x1000, $0x38;
	[tilespmem:$0x1F400] =	vst v63  }
0x62: {  	_ =	swait.ge [sflag:s1], $0x1000  }
0x63: {  	[sflag:s1] =	ssyncset.done $0x0  }
0x64: {  	s29 =	rddreg [dreg:$0x12];
	[sflag:s1] =	ssyncadd.s32 $0xFFFFF000  }
0x65: {  	[spmem:s29] =	stream.linear.scatter [tilespmem:s24], [sflag:$0x3], $0x1000, $0x38;
	[tilespmem:$0x1F400] =	vst v63  }
0x66: {  	_ =	swait.ge [sflag:s1], $0x1000  }
0x67: {  	[sflag:s1] =	ssyncset.done $0x0  }
0x68: {  	s30 =	rddreg [dreg:$0x13];
	[sflag:s1] =	ssyncadd.s32 $0xFFFFF000  }
0x69: {  	[spmem:s30] =	stream.linear.scatter [tilespmem:s24], [sflag:$0x3], $0x1000, $0x38;
	[tilespmem:$0x1F400] =	vst v63  }
0x6a: {  	_ =	swait.ge [sflag:s1], $0x1000  }
0x6b: {  	[sflag:s1] =	ssyncset.done $0x0  }
0x6c: {  	s31 =	rddreg [dreg:$0x14];
	[sflag:s1] =	ssyncadd.s32 $0xFFFFF000  }
0x6d: {  	[spmem:s31] =	stream.linear.scatter [tilespmem:s24], [sflag:$0x3], $0x1000, $0x38;
	[tilespmem:$0x1F400] =	vst v63  }
0x6e: {  	_ =	swait.ge [sflag:s1], $0x1000  }
0x6f: {  	[sflag:s1] =	ssyncset.done $0x0  }
0x70: {  	s25 =	rddreg [dreg:$0x15];
	[sflag:s1] =	ssyncadd.s32 $0xFFFFF000  }
0x71: {  	[spmem:s25] =	stream.linear.scatter [tilespmem:s24], [sflag:$0x3], $0x1000, $0x38;
	[tilespmem:$0x1F400] =	vst v63  }
0x72: {  	_ =	swait.ge [sflag:s1], $0x1000  }
0x73: {  	[sflag:s1] =	ssyncset.done $0x0  }
0x74: {  	s26 =	rddreg [dreg:$0x16];
	[sflag:s1] =	ssyncadd.s32 $0xFFFFF000  }
0x75: {  	[spmem:s26] =	stream.linear.scatter [tilespmem:s24], [sflag:$0x3], $0x1000, $0x38;
	[tilespmem:$0x1F400] =	vst v63  }
0x76: {  	_ =	swait.ge [sflag:s1], $0x1000  }
0x77: {  	[sflag:s1] =	ssyncset.done $0x0  }
0x78: {  	s28 =	rddreg [dreg:$0x17];
	[sflag:s1] =	ssyncadd.s32 $0xFFFFF000  }
0x79: {  	[spmem:s28] =	stream.linear.scatter [tilespmem:s24], [sflag:$0x3], $0x1000, $0x38;
	[tilespmem:$0x1F400] =	vst v63  }
0x7a: {  	_ =	swait.ge [sflag:s1], $0x1000  }
0x7b: {  	[sflag:s1] =	ssyncset.done $0x0  }
0x7c: {  	s29 =	rddreg [dreg:$0x18];
	[sflag:s1] =	ssyncadd.s32 $0xFFFFF000  }
0x7d: {  	[spmem:s29] =	stream.linear.scatter [tilespmem:s24], [sflag:$0x3], $0x1000, $0x38;
	[tilespmem:$0x1F400] =	vst v63  }
0x7e: {  	_ =	swait.ge [sflag:s1], $0x1000  }
0x7f: {  	[sflag:s1] =	ssyncset.done $0x0  }
0x80: {  	s30 =	rddreg [dreg:$0x19];
	[sflag:s1] =	ssyncadd.s32 $0xFFFFF000  }
0x81: {  	[spmem:s30] =	stream.linear.scatter [tilespmem:s24], [sflag:$0x3], $0x1000, $0x38;
	[tilespmem:$0x1F400] =	vst v63  }
0x82: {  	_ =	swait.ge [sflag:s1], $0x1000  }
0x83: {  	[sflag:s1] =	ssyncset.done $0x0  }
0x84: {  	s31 =	rddreg [dreg:$0x5];
	[sflag:s1] =	ssyncadd.s32 $0xFFFFF000  }
0x85: {  	[spmem:s31] =	stream.linear.scatter [tilespmem:s24], [sflag:$0x3], $0xC00, $0x38;
	[tilespmem:$0x1F400] =	vst v63  }
.Ltmp3:
0x86: {  	_ =	swait.ge [sflag:s1], $0xC00;
	(pc) =	sbr.rel .LBB2_4-.Ltmp3, $4  }
0x87: {  	[sflag:s1] =	ssyncset.done $0x0  }
0x88: {  	[sflag:s1] =	ssyncadd.s32 $0xFFFFF400  }
0x89: {  	[bflag:$0x0] =	sbarrier.arrive $0xFFFF  }
0x8a: {  	s25 =	simm.s32 $0x0;
	s26 =	simm.s32 $0x0  }
.LBB2_7:
0x8b: {  	s26 =	sadd.s32 $0x1, s26  }
0x8c: {  	p0 =	sne.s32 s26, $0x4  }
.Ltmp4:
0x8d: {  	_ = 	snop;
	(pc) =	sbr.rel @!p0 .LBB2_8-.Ltmp4, $4  }
0x8e: {  	[spmem:s3] =	stream.indirect.scatter.add.f32 [tilespmem:s16], [sflag:$0x2], $0x80, s30, s4, $0xb8;
	[tilespmem:$0x1F400] =	vst v63  }
0x8f: {  	_ =	swait.ge [sflag:s17], $0x2000  }
0x90: {  	[sflag:s17] =	ssyncset.done $0x0  }
0x91: {  	[sflag:s17] =	ssyncadd.s32 $0xFFFFE000  }
.LBB2_4:
0x92: {  	s28 =	smul.u32 $0x28, s26;
	_ =	sdelay $0x1  }
0x93: {  	s28 =	sadd.s32 s9, s28  }
0x94: {  	s28 =	sshll.u32 s28, $0x4  }
0x95: {  	s29 =	sadd.s32 s5, s28  }
0x96: {  	[tilespmem:s25], [sflag:$0x3] =	stream.linear.gather [hbm4b:s29+s25], $0x1400, $0x38;
	[tilespmem:$0x1F400] =	vst v63  }
0x97: {  	_ =	swait.ge [sflag:s1], $0x1400  }
0x98: {  	[sflag:s1] =	ssyncset.done $0x0  }
0x99: {  	s28 =	sadd.s32 s6, s28;
	[sflag:s1] =	ssyncadd.s32 $0xFFFFEC00  }
0x9a: {  	[tilespmem:s2], [sflag:$0x3] =	stream.linear.gather [hbm4b:s28+s25], $0x1400, $0x38;
	[tilespmem:$0x1F400] =	vst v63  }
0x9b: {  	_ =	swait.ge [sflag:s1], $0x1400  }
0x9c: {  	[sflag:s1] =	ssyncset.done $0x0  }
0x9d: {  	[sflag:s1] =	ssyncadd.s32 $0xFFFFEC00  }
0x9e: {  	[tilespmem:s8], [sflag:$0x1] =	stream.indirect.gather [hbm4b:s0+s4], $0x80, s25, s4, $0xb8;
	[tilespmem:$0x1F400] =	vst v63  }
0x9f: {  	_ = 	snop  }
0xa0: {  	[tilespmem:s11], [sflag:$0x1] =	stream.indirect.gather [hbm4b:s0+s4], $0x80, s10, s4, $0xb8;
	[tilespmem:$0x1F400] =	vst v63  }
0xa1: {  	_ = 	snop  }
0xa2: {  	[tilespmem:s13], [sflag:$0x1] =	stream.indirect.gather [hbm4b:s0+s4], $0x80, s12, s4, $0xb8;
	[tilespmem:$0x1F400] =	vst v63  }
0xa3: {  	_ =	swait.ge [sflag:s14], $0x2000  }
0xa4: {  	[sflag:s14] =	ssyncset.done $0x0  }
0xa5: {  	[sflag:s14] =	ssyncadd.s32 $0xFFFFE000  }
0xa6: {  	[tilespmem:s16], [sflag:$0x1] =	stream.indirect.gather [hbm4b:s0+s4], $0x80, s15, s4, $0xb8;
	[tilespmem:$0x1F400] =	vst v63  }
0xa7: {  	_ = 	snop  }
0xa8: {  	[spmem:s3] =	stream.indirect.scatter.add.f32 [tilespmem:s8], [sflag:$0x2], $0x80, s2, s4, $0xb8;
	[tilespmem:$0x1F400] =	vst v63  }
0xa9: {  	_ =	swait.ge [sflag:s14], $0x2000  }
0xaa: {  	[sflag:s14] =	ssyncset.done $0x0  }
0xab: {  	[sflag:s14] =	ssyncadd.s32 $0xFFFFE000  }
0xac: {  	_ =	swait.ge [sflag:s17], $0x2000  }
0xad: {  	[sflag:s17] =	ssyncset.done $0x0  }
0xae: {  	[sflag:s17] =	ssyncadd.s32 $0xFFFFE000  }
0xaf: {  	[tilespmem:s8], [sflag:$0x1] =	stream.indirect.gather [hbm4b:s0+s4], $0x80, s18, s4, $0xb8;
	[tilespmem:$0x1F400] =	vst v63  }
0xb0: {  	_ = 	snop  }
0xb1: {  	[spmem:s3] =	stream.indirect.scatter.add.f32 [tilespmem:s11], [sflag:$0x2], $0x80, s19, s4, $0xb8;
	[tilespmem:$0x1F400] =	vst v63  }
0xb2: {  	_ =	swait.ge [sflag:s14], $0x2000  }
0xb3: {  	[sflag:s14] =	ssyncset.done $0x0  }
0xb4: {  	[sflag:s14] =	ssyncadd.s32 $0xFFFFE000  }
0xb5: {  	_ =	swait.ge [sflag:s17], $0x2000  }
0xb6: {  	[sflag:s17] =	ssyncset.done $0x0  }
0xb7: {  	[sflag:s17] =	ssyncadd.s32 $0xFFFFE000  }
0xb8: {  	[tilespmem:s11], [sflag:$0x1] =	stream.indirect.gather [hbm4b:s0+s4], $0x80, s20, s4, $0xb8;
	[tilespmem:$0x1F400] =	vst v63  }
0xb9: {  	_ = 	snop  }
0xba: {  	[spmem:s3] =	stream.indirect.scatter.add.f32 [tilespmem:s13], [sflag:$0x2], $0x80, s21, s4, $0xb8;
	[tilespmem:$0x1F400] =	vst v63  }
0xbb: {  	_ =	swait.ge [sflag:s14], $0x2000  }
0xbc: {  	[sflag:s14] =	ssyncset.done $0x0  }
0xbd: {  	[sflag:s14] =	ssyncadd.s32 $0xFFFFE000  }
0xbe: {  	_ =	swait.ge [sflag:s17], $0x2000  }
0xbf: {  	[sflag:s17] =	ssyncset.done $0x0  }
0xc0: {  	[sflag:s17] =	ssyncadd.s32 $0xFFFFE000  }
0xc1: {  	[tilespmem:s13], [sflag:$0x1] =	stream.indirect.gather [hbm4b:s0+s4], $0x80, s22, s4, $0xb8;
	[tilespmem:$0x1F400] =	vst v63  }
0xc2: {  	s28 =	simm.s32 $0x0  }
0xc3: {  	[spmem:s3] =	stream.indirect.scatter.add.f32 [tilespmem:s16], [sflag:$0x2], $0x80, s23, s4, $0xb8;
	[tilespmem:$0x1F400] =	vst v63  }
.LBB2_5:
0xc4: {  	_ =	swait.ge [sflag:s14], $0x2000  }
0xc5: {  	[sflag:s14] =	ssyncset.done $0x0  }
0xc6: {  	[sflag:s14] =	ssyncadd.s32 $0xFFFFE000  }
0xc7: {  	_ =	swait.ge [sflag:s17], $0x2000  }
0xc8: {  	s29 =	sshra.s32 s28, $0x2;
	[sflag:s17] =	ssyncset.done $0x0  }
0xc9: {  	s30 =	sadd.s32 $0x380, s29;
	[sflag:s17] =	ssyncadd.s32 $0xFFFFE000  }
0xca: {  	[tilespmem:s16], [sflag:$0x1] =	stream.indirect.gather [hbm4b:s0+s4], $0x80, s30, s4, $0xb8;
	[tilespmem:$0x1F400] =	vst v63  }
0xcb: {  	s30 =	sadd.s32 $0x1600, s29  }
0xcc: {  	[spmem:s3] =	stream.indirect.scatter.add.f32 [tilespmem:s8], [sflag:$0x2], $0x80, s30, s4, $0xb8;
	[tilespmem:$0x1F400] =	vst v63  }
0xcd: {  	_ =	swait.ge [sflag:s14], $0x2000  }
0xce: {  	[sflag:s14] =	ssyncset.done $0x0  }
0xcf: {  	[sflag:s14] =	ssyncadd.s32 $0xFFFFE000  }
0xd0: {  	p0 =	seq.s32 s28, $0x4000;
	_ =	swait.ge [sflag:s17], $0x2000  }
0xd1: {  	s7 =	simm.s32 @p0 $0x40;
	s30 =	sshra.s32 @p0 s28, $0x2;
	[sflag:s17] =	ssyncset.done $0x0  }
0xd2: {  	s24 =	simm.s32 @p0 $0x4800;
	s30 =	sadd.s32 @p0 $0x1680, s30;
	[sflag:s17] =	ssyncadd.s32 $0xFFFFE000  }
0xd3: {  	[spmem:s3] =	stream.indirect.scatter.add.f32 @p0 [tilespmem:s24], [sflag:$0x2], $0x80, s30, s7, $0xb8;
	[tilespmem:$0x1F400] =	vst v63  }
0xd4: {  	s7 =	simm.s32 @p0 $0x1  }
0xd5: {  	_ =	swait.ge @p0 [sflag:s7], $0x2000  }
0xd6: {  	[sflag:s7] =	ssyncset.done @p0 $0x0  }
0xd7: {  	[sflag:s7] =	ssyncadd.s32 @p0 $0xFFFFE000;
	s7 =	simm.s32 @p0 $0x2  }
0xd8: {  	_ =	swait.ge @p0 [sflag:s7], $0x2000  }
0xd9: {  	[sflag:s7] =	ssyncset.done @p0 $0x0  }
0xda: {  	[sflag:s7] =	ssyncadd.s32 @p0 $0xFFFFE000;
	s7 =	sshra.s32 @!p0 s28, $0x2  }
0xdb: {  	s31 =	simm.s32 @!p0 $0x2800;
	s30 =	simm.s32 @!p0 $0x40;
	s24 =	sadd.s32 @!p0 $0x400, s7  }
0xdc: {  	[tilespmem:s31], [sflag:$0x1] =	stream.indirect.gather @!p0 [hbm4b:s0+s30], $0x80, s24, s30, $0xb8;
	[tilespmem:$0x1F400] =	vst v63  }
0xdd: {  	s24 =	sadd.s32 @!p0 $0x1680, s7;
	s31 =	simm.s32 @!p0 $0x4800  }
0xde: {  	[spmem:s3] =	stream.indirect.scatter.add.f32 @!p0 [tilespmem:s31], [sflag:$0x2], $0x80, s24, s30, $0xb8;
	[tilespmem:$0x1F400] =	vst v63  }
0xdf: {  	s24 =	simm.s32 @!p0 $0x1  }
0xe0: {  	_ =	swait.ge @!p0 [sflag:s24], $0x2000  }
0xe1: {  	[sflag:s24] =	ssyncset.done @!p0 $0x0  }
0xe2: {  	[sflag:s24] =	ssyncadd.s32 @!p0 $0xFFFFE000;
	s24 =	simm.s32 @!p0 $0x2  }
0xe3: {  	_ =	swait.ge @!p0 [sflag:s24], $0x2000  }
0xe4: {  	[sflag:s24] =	ssyncset.done @!p0 $0x0  }
0xe5: {  	s7 =	sadd.s32 @!p0 $0x480, s7;
	[sflag:s24] =	ssyncadd.s32 @!p0 $0xFFFFE000  }
0xe6: {  	[tilespmem:s31], [sflag:$0x1] =	stream.indirect.gather @!p0 [hbm4b:s0+s30], $0x80, s7, s30, $0xb8;
	[tilespmem:$0x1F400] =	vst v63  }
0xe7: {  	s31 =	sadd.s32 $0x1700, s29  }
0xe8: {  	[spmem:s3] =	stream.indirect.scatter.add.f32 [tilespmem:s13], [sflag:$0x2], $0x80, s31, s4, $0xb8;
	[tilespmem:$0x1F400] =	vst v63  }
0xe9: {  	_ =	swait.ge [sflag:s14], $0x2000  }
.Ltmp5:
0xea: {  	[sflag:s14] =	ssyncset.done $0x0;
	(pc) =	sbr.rel @p0 .LBB2_7-.Ltmp5, $4  }
0xeb: {  	[sflag:s14] =	ssyncadd.s32 $0xFFFFE000  }
0xec: {  	_ =	swait.ge [sflag:s17], $0x2000  }
0xed: {  	[sflag:s17] =	ssyncset.done $0x0  }
0xee: {  	s30 =	sadd.s32 $0x1780, s29;
	[sflag:s17] =	ssyncadd.s32 $0xFFFFE000  }
.Ltmp6:
0xef: {  	(pc) =	sbr.rel .LBB2_5-.Ltmp6, $4  }
0xf0: {  	s7 =	sadd.s32 $0x500, s29  }
0xf1: {  	[tilespmem:s13], [sflag:$0x1] =	stream.indirect.gather [hbm4b:s0+s4], $0x80, s7, s4, $0xb8;
	[tilespmem:$0x1F400] =	vst v63  }
0xf2: {  	s28 =	sadd.s32 $0x800, s28  }
0xf3: {  	[spmem:s3] =	stream.indirect.scatter.add.f32 [tilespmem:s16], [sflag:$0x2], $0x80, s30, s4, $0xb8;
	[tilespmem:$0x1F400] =	vst v63  }
.LBB2_9:
0xf4: {  	_ =	sfence.sel $0x180000  }
0xf5: {  	[bflag:$0x0] =	sbarrier.arrive $0xFFFF  }
0xf6: {  	_ =	strace $0x90000047  }
0xf7: {  	s0 =	stileid.u32;
	[bflag:$0x2] =	sbarrier.arrive $0xFFFF  }
0xf8: {  	p0 =	sne.s32 s0, $0x0;
	s0 =	rddreg [dreg:$0x3]  }
0xf9: {  	s0 =	sadd.s32 @!p0 $0x100000, s0  }
0xfa: {  	[sflag:s0] =	ssyncadd.tile.s32 @!p0 $0x1;
	_ =	shalt  }
.Lfunc_end2:
_tile_overlayer_lowered:
.L_overlay_start_2:
0xfb: {  	(tag) =	ssettag $0x2  }
0xfc: {  	s0 =	rddreg [dreg:$0x0];
	s2 =	stileid.u32  }
0xfd: {  	s1 =	rddreg [dreg:$0x1];
	p0 =	sne.s32 s2, $0x0  }
0xfe: {  	s3 =	rddreg [dreg:$0x2];
	[bflag:$0x3] =	sbarrier.arrive $0xFFFF;
	s2 =	simm.s32 @!p0 $0x1C03  }
0xff: {  	[timem:s3], [sflag:s2] =	dma.local @!p0 [hbm:s0], s1  }
0x100: {  	s0 =	simm.s32 @!p0 $0x3  }
0x101: {  	_ =	swait.ge @!p0 [sflag:s0], s1  }
0x102: {  	s1 =	ssub.s32 @!p0 $0x0, s1;
	[sflag:s0] =	ssyncset.done @!p0 $0x0  }
0x103: {  	[sflag:s0] =	ssyncadd.s32 @!p0 s1  }
0x104: {  	[bflag:$0x3] =	sbarrier.arrive $0xFFFF  }
0x105: {  	_ =	shalt  }

</sc_bundles>
